<compile_context>
chip_gen: v7x
topology: tpu7x:2x2x1
jax: 0.10.2.dev20260603
libtpu: 0.0.44.dev20260713+nightly
codegen_flags: <defaults>
</compile_context>

<pallas_src>
import functools

import jax
import jax.numpy as jnp
from jax import lax
from jax.experimental import pallas as pl
from jax.experimental.pallas import tpu as pltpu
from jax.experimental.pallas import tpu_sc as plsc

V = 1_000_000
D = 32
B = 16384
L = 200

NW = 32
ROWS_PER_W = B // NW
G = 64
NCHUNK = ROWS_PER_W // G

V4 = V // 4
BLK4 = 10_000
NSTEP = V4 // BLK4
VPS = 4 * BLK4


def _scores_body(t4_ref, ws_ref, b_ref, out_ref):
    i = pl.program_id(0)
    t4 = t4_ref[...]
    ws = ws_ref[...]
    bval = b_ref[0, 0]
    s = lax.dot_general(
        ws, t4, (((0,), (1,)), ((), ())),
        preferred_element_type=jnp.float32,
    ) + bval

    @pl.when(i == 0)
    def _():
        rid = lax.broadcasted_iota(jnp.int32, s.shape, 0)
        cid = lax.broadcasted_iota(jnp.int32, s.shape, 1)
        out_ref[...] = jnp.where((rid == 0) & (cid == 0), bval, s)[None]

    @pl.when(i != 0)
    def _():
        out_ref[...] = s[None]


def _compute_scores(t4, ws, b):
    return pl.pallas_call(
        _scores_body,
        grid=(NSTEP,),
        in_specs=[
            pl.BlockSpec((BLK4, 128), lambda i: (i, 0)),
            pl.BlockSpec((128, 4), lambda i: (0, 0)),
            pl.BlockSpec((1, 1), lambda i: (0, 0)),
        ],
        out_specs=pl.BlockSpec((1, 4, BLK4), lambda i: (i, 0, 0)),
        out_shape=jax.ShapeDtypeStruct((NSTEP, 4, BLK4), jnp.float32),
    )(t4, ws, b.reshape(1, 1))


def _pool_body(scores_hbm, xf_hbm, out_hbm, idx_v, vals_v, out_v, sem):
    c = lax.axis_index("c")
    s = lax.axis_index("s")
    wid = s * 2 + c

    inv_l = jnp.float32(1.0 / L)
    zeros = jnp.zeros((16,), jnp.float32)

    for ch in range(NCHUNK):
        pltpu.sync_copy(xf_hbm.at[wid, ch], idx_v)
        pltpu.async_copy(scores_hbm.at[idx_v], vals_v, sem).wait()

        def body(l, accs):
            return tuple(
                accs[rb] + vals_v[pl.ds(l * G + rb * 16, 16)]
                for rb in range(G // 16)
            )

        accs = lax.fori_loop(0, L, body, (zeros,) * (G // 16))
        for rb in range(G // 16):
            z = accs[rb] * inv_l
            out_v[pl.ds(ch * G + rb * 16, 16)] = 1.0 / (1.0 + jnp.exp(-z))

    pltpu.sync_copy(out_v, out_hbm.at[pl.ds(wid * ROWS_PER_W, ROWS_PER_W)])


@functools.partial(
    pl.kernel,
    out_type=jax.ShapeDtypeStruct((B,), jnp.float32),
    mesh=plsc.VectorSubcoreMesh(core_axis_name="c", subcore_axis_name="s"),
    scratch_types=[
        pltpu.VMEM((L * G,), jnp.int32),
        pltpu.VMEM((L * G,), jnp.float32),
        pltpu.VMEM((ROWS_PER_W,), jnp.float32),
        pltpu.SemaphoreType.DMA,
    ],
)
def _pool_kernel(scores_hbm, xf_hbm, out_hbm, idx_v, vals_v, out_v, sem):
    _pool_body(scores_hbm, xf_hbm, out_hbm, idx_v, vals_v, out_v, sem)


def kernel(x, table, W, b):
    t4 = table.astype(jnp.bfloat16).reshape(V4, 128)
    wrow = W.reshape(D).astype(jnp.bfloat16)
    lane = lax.broadcasted_iota(jnp.int32, (128, 4), 0)
    col = lax.broadcasted_iota(jnp.int32, (128, 4), 1)
    ws = jnp.where(lane // D == col, wrow[lane % D], jnp.bfloat16(0.0))

    scores = _compute_scores(t4, ws, b).reshape(V)

    xi = x.astype(jnp.int32)
    vl = xi % VPS
    xt = (xi - vl) + (vl & 3) * BLK4 + (vl >> 2)
    xf = (
        xt.reshape(NW, NCHUNK, G, L)
        .transpose(0, 1, 3, 2)
        .reshape(NW, NCHUNK, L * G)
    )
    out = _pool_kernel(scores, xf)
    return out.reshape(B, 1)

# --- scband reference (transcript-rebuilt; emitter-appended) ---
"""Pipeline reference for scband-word-embedding-classifier-learned-31911607009312 (READ-ONLY COPY).

The authoritative reference and input builder live on the scoring server;
editing this copy changes nothing except your own understanding.
"""

import jax, jax.numpy as jnp
import numpy as np

VOCAB = 1000000
EMBED_DIM = 32
HIDDEN = 1
BATCH = 16384
HIST = 200

def setup_inputs(seed: int = 0) -> dict:
    key = jax.random.key(seed)
    k1, k2, k3, k4 = jax.random.split(key, 4)
    x = jax.random.randint(k1, (BATCH, HIST), 0, VOCAB, dtype=jnp.int64) if jax.config.jax_enable_x64 else jax.random.randint(k1, (BATCH, HIST), 0, VOCAB, dtype=jnp.int32)
    table = jax.random.normal(k2, (VOCAB, EMBED_DIM), dtype=jnp.float32)
    W = jax.random.normal(k3, (HIDDEN, EMBED_DIM), dtype=jnp.float32) * 0.1
    b = jax.random.normal(k4, (HIDDEN,), dtype=jnp.float32) * 0.1
    return {"x": x, "table": table, "W": W, "b": b}

def reference(x, table, W, b):
    # nn.Embedding with padding_idx=0: row 0 acts as a zero embedding
    table_eff = table.at[0].set(0.0)
    embed = jnp.take(table_eff, x, axis=0)          # [B, L, D] gather
    pooled = embed.mean(axis=1)                      # [B, D]
    logits = pooled @ W.T + b                        # [B, 1]
    return jax.nn.sigmoid(logits)

if __name__ == "__main__":
    import jax
    _d = setup_inputs()
    print(jax.jit(kernel)(*tuple(_d.values())))

</pallas_src>

<mosaic_0001>
#map = affine_map<(d0, d1) -> (0)>
#map1 = affine_map<(d0, d1) -> (0, 0, 0)>
module attributes {stable_mosaic.version = 14 : i64} {
  func.func @_pool_kernel(%arg0: i32, %arg1: i32, %arg2: memref<1000000xf32, #tpu.memory_space<hbm>>, %arg3: memref<32x8x12800xi32, #tpu.memory_space<hbm>>, %arg4: memref<16384xf32, #tpu.memory_space<hbm>>, %arg5: memref<12800xi32, #tpu.memory_space<vmem>>, %arg6: memref<12800xf32, #tpu.memory_space<vmem>>, %arg7: memref<512xf32, #tpu.memory_space<vmem>>, %arg8: memref<!tpu.dma_semaphore, #tpu.memory_space<semaphore_mem>>) attributes {dimension_semantics = [#tpu.dimension_semantics<core_parallel>, #tpu.dimension_semantics<subcore_parallel>], iteration_bounds = array<i64: 2, 16>, scalar_prefetch = 0 : i64, scratch_operands = 4 : i64, tpu.core_type = #tpu.core_type<sc_vector_subcore>, window_params = [{transform_indices = #map}, {transform_indices = #map1}, {transform_indices = #map}]} {
    %mul3A = arith.constant 2 : i32
    %mul3A_0 = arith.muli %arg1, %mul3A : i32
    %add3A = arith.addi %mul3A_0, %arg0 : i32
    %broadcast_in_dim3A = arith.constant 0.000000e+00 : f32
    %broadcast_in_dim3A_1 = vector.broadcast %broadcast_in_dim3A : f32 to vector<16xf32>
    %run_scoped3A = arith.constant 0 : i32
    "tpu.region"() ({
      %run_scoped3A_628 = tpu.sem_alloc : memref<!tpu.dma_semaphore, #tpu.memory_space<semaphore_mem>>
      %dma_start3A_629 = arith.constant 0 : i32
      %dma_start3A_630 = tpu.memref_slice %arg3[%add3A, %run_scoped3A, %dma_start3A_629] : memref<32x8x12800xi32, #tpu.memory_space<hbm>> -> memref<1x1x12800xi32, #tpu.memory_space<hbm>>
      %dma_start3A_631 = tpu.memref_squeeze %dma_start3A_630 : memref<1x1x12800xi32, #tpu.memory_space<hbm>> -> memref<12800xi32, #tpu.memory_space<hbm>>
      %dma_start3A_632 = arith.constant 0 : i32
      %dma_start3A_633 = tpu.memref_slice %arg3[%add3A, %run_scoped3A, %dma_start3A_632] : memref<32x8x12800xi32, #tpu.memory_space<hbm>> -> memref<1x1x12800xi32, #tpu.memory_space<hbm>>
      %dma_start3A_634 = tpu.memref_squeeze %dma_start3A_633 : memref<1x1x12800xi32, #tpu.memory_space<hbm>> -> memref<12800xi32, #tpu.memory_space<hbm>>
      tpu.enqueue_dma source(%dma_start3A_634 : memref<12800xi32, #tpu.memory_space<hbm>>) target(%arg5 : memref<12800xi32, #tpu.memory_space<vmem>>) target_semaphore(%run_scoped3A_628 : memref<!tpu.dma_semaphore, #tpu.memory_space<semaphore_mem>>)
      %dma_wait3A_635 = arith.constant 0 : i32
      %dma_wait3A_636 = tpu.memref_slice %arg3[%add3A, %run_scoped3A, %dma_wait3A_635] : memref<32x8x12800xi32, #tpu.memory_space<hbm>> -> memref<1x1x12800xi32, #tpu.memory_space<hbm>>
      %dma_wait3A_637 = tpu.memref_squeeze %dma_wait3A_636 : memref<1x1x12800xi32, #tpu.memory_space<hbm>> -> memref<12800xi32, #tpu.memory_space<hbm>>
      %dma_wait3A_638 = arith.constant 0 : i32
      %dma_wait3A_639 = tpu.memref_slice %arg3[%add3A, %run_scoped3A, %dma_wait3A_638] : memref<32x8x12800xi32, #tpu.memory_space<hbm>> -> memref<1x1x12800xi32, #tpu.memory_space<hbm>>
      %dma_wait3A_640 = tpu.memref_squeeze %dma_wait3A_639 : memref<1x1x12800xi32, #tpu.memory_space<hbm>> -> memref<12800xi32, #tpu.memory_space<hbm>>
      tpu.wait_dma2 semaphore(%run_scoped3A_628 : memref<!tpu.dma_semaphore, #tpu.memory_space<semaphore_mem>>) src(%dma_wait3A_640 : memref<12800xi32, #tpu.memory_space<hbm>>) dst(%arg5 : memref<12800xi32, #tpu.memory_space<vmem>>)
      tpu.yield
    }) : () -> ()
    %dma_start3A = arith.constant 0 : i32
    %dma_start3A_2 = tpu.memref_slice %arg2[%dma_start3A] : memref<1000000xf32, #tpu.memory_space<hbm>> -> memref<1000000xf32, #tpu.memory_space<hbm>>
    tpu.enqueue_indirect_dma source(%dma_start3A_2 : memref<1000000xf32, #tpu.memory_space<hbm>>) target(%arg6 : memref<12800xf32, #tpu.memory_space<vmem>>) offsets(%arg5 : memref<12800xi32, #tpu.memory_space<vmem>>) semaphore(%arg8 : memref<!tpu.dma_semaphore, #tpu.memory_space<semaphore_mem>>)
    %dma_wait3A = arith.constant 0 : i32
    %dma_wait3A_3 = tpu.memref_slice %arg2[%dma_wait3A] : memref<1000000xf32, #tpu.memory_space<hbm>> -> memref<1000000xf32, #tpu.memory_space<hbm>>
    tpu.wait_indirect_dma semaphore(%arg8 : memref<!tpu.dma_semaphore, #tpu.memory_space<semaphore_mem>>) src(%dma_wait3A_3 : memref<1000000xf32, #tpu.memory_space<hbm>>) dst(%arg6 : memref<12800xf32, #tpu.memory_space<vmem>>)
    %scan3A = arith.constant 0 : i32
    %scan3A_4 = arith.constant 200 : i32
    %scan3A_5 = arith.addi %scan3A, %scan3A_4 : i32
    %scan3A_6 = arith.constant 1 : i32
    %scan3A_7:4 = scf.for %scan3A_628 = %scan3A to %scan3A_5 step %scan3A_6 iter_args(%scan3A_629 = %broadcast_in_dim3A_1, %scan3A_630 = %broadcast_in_dim3A_1, %scan3A_631 = %broadcast_in_dim3A_1, %scan3A_632 = %broadcast_in_dim3A_1) -> (vector<16xf32>, vector<16xf32>, vector<16xf32>, vector<16xf32>)  : i32 {
      %mul3A_633 = arith.constant 64 : i32
      %mul3A_634 = arith.muli %scan3A_628, %mul3A_633 : i32
      %add3A_635 = arith.constant 0 : i32
      %add3A_636 = arith.addi %mul3A_634, %add3A_635 : i32
      %get3A = arith.index_cast %add3A_636 : i32 to index
      %get3A_637 = tpu.vector_load %arg6[%get3A] {strides = array<i32>} : memref<12800xf32, #tpu.memory_space<vmem>>, vector<16xf32>,
      %get3A_638 = vector.shape_cast %get3A_637 : vector<16xf32> to vector<16xf32>
      %add3A_639 = arith.addf %scan3A_629, %get3A_638 : vector<16xf32>
      %mul3A_640 = arith.constant 64 : i32
      %mul3A_641 = arith.muli %scan3A_628, %mul3A_640 : i32
      %add3A_642 = arith.constant 16 : i32
      %add3A_643 = arith.addi %mul3A_641, %add3A_642 : i32
      %get3A_644 = arith.index_cast %add3A_643 : i32 to index
      %get3A_645 = tpu.vector_load %arg6[%get3A_644] {strides = array<i32>} : memref<12800xf32, #tpu.memory_space<vmem>>, vector<16xf32>,
      %get3A_646 = vector.shape_cast %get3A_645 : vector<16xf32> to vector<16xf32>
      %add3A_647 = arith.addf %scan3A_630, %get3A_646 : vector<16xf32>
      %mul3A_648 = arith.constant 64 : i32
      %mul3A_649 = arith.muli %scan3A_628, %mul3A_648 : i32
      %add3A_650 = arith.constant 32 : i32
      %add3A_651 = arith.addi %mul3A_649, %add3A_650 : i32
      %get3A_652 = arith.index_cast %add3A_651 : i32 to index
      %get3A_653 = tpu.vector_load %arg6[%get3A_652] {strides = array<i32>} : memref<12800xf32, #tpu.memory_space<vmem>>, vector<16xf32>,
      %get3A_654 = vector.shape_cast %get3A_653 : vector<16xf32> to vector<16xf32>
      %add3A_655 = arith.addf %scan3A_631, %get3A_654 : vector<16xf32>
      %mul3A_656 = arith.constant 64 : i32
      %mul3A_657 = arith.muli %scan3A_628, %mul3A_656 : i32
      %add3A_658 = arith.constant 48 : i32
      %add3A_659 = arith.addi %mul3A_657, %add3A_658 : i32
      %get3A_660 = arith.index_cast %add3A_659 : i32 to index
      %get3A_661 = tpu.vector_load %arg6[%get3A_660] {strides = array<i32>} : memref<12800xf32, #tpu.memory_space<vmem>>, vector<16xf32>,
      %get3A_662 = vector.shape_cast %get3A_661 : vector<16xf32> to vector<16xf32>
      %add3A_663 = arith.addf %scan3A_632, %get3A_662 : vector<16xf32>
      scf.yield %add3A_639, %add3A_647, %add3A_655, %add3A_663 : vector<16xf32>, vector<16xf32>, vector<16xf32>, vector<16xf32>
    }
    %scan3A_8 = arith.constant 200 : i32
    %mul3A_9 = arith.constant 5.000000e-03 : f32
    %mul3A_10 = vector.broadcast %mul3A_9 : f32 to vector<16xf32>
    %mul3A_11 = arith.mulf %scan3A_7#0, %mul3A_10 : vector<16xf32>
    %neg3A = arith.constant 0.000000e+00 : f32
    %neg3A_12 = vector.broadcast %neg3A : f32 to vector<16xf32>
    %neg3A_13 = arith.subf %neg3A_12, %mul3A_11 : vector<16xf32>
    %exp3A = math.exp %neg3A_13 : vector<16xf32>
    %add3A_14 = arith.constant 1.000000e+00 : f32
    %add3A_15 = vector.broadcast %add3A_14 : f32 to vector<16xf32>
    %add3A_16 = arith.addf %add3A_15, %exp3A : vector<16xf32>
    %div3A = arith.constant 1.000000e+00 : f32
    %div3A_17 = vector.broadcast %div3A : f32 to vector<16xf32>
    %div3A_18 = arith.divf %div3A_17, %add3A_16 : vector<16xf32>
    %swap3A = arith.constant 0 : index
    %swap3A_19 = tpu.vector_load %arg7[%swap3A] {strides = array<i32>} : memref<512xf32, #tpu.memory_space<vmem>>, vector<16xf32>,
    %swap3A_20 = vector.shape_cast %swap3A_19 : vector<16xf32> to vector<16xf32>
    %swap3A_21 = vector.shape_cast %div3A_18 : vector<16xf32> to vector<16xf32>
    tpu.vector_store %arg7[%swap3A], %swap3A_21 {strides = array<i32>} : memref<512xf32, #tpu.memory_space<vmem>>, vector<16xf32>,
    %mul3A_22 = arith.constant 5.000000e-03 : f32
    %mul3A_23 = vector.broadcast %mul3A_22 : f32 to vector<16xf32>
    %mul3A_24 = arith.mulf %scan3A_7#1, %mul3A_23 : vector<16xf32>
    %neg3A_25 = arith.constant 0.000000e+00 : f32
    %neg3A_26 = vector.broadcast %neg3A_25 : f32 to vector<16xf32>
    %neg3A_27 = arith.subf %neg3A_26, %mul3A_24 : vector<16xf32>
    %exp3A_28 = math.exp %neg3A_27 : vector<16xf32>
    %add3A_29 = arith.constant 1.000000e+00 : f32
    %add3A_30 = vector.broadcast %add3A_29 : f32 to vector<16xf32>
    %add3A_31 = arith.addf %add3A_30, %exp3A_28 : vector<16xf32>
    %div3A_32 = arith.constant 1.000000e+00 : f32
    %div3A_33 = vector.broadcast %div3A_32 : f32 to vector<16xf32>
    %div3A_34 = arith.divf %div3A_33, %add3A_31 : vector<16xf32>
    %swap3A_35 = arith.constant 16 : index
    %swap3A_36 = tpu.vector_load %arg7[%swap3A_35] {strides = array<i32>} : memref<512xf32, #tpu.memory_space<vmem>>, vector<16xf32>,
    %swap3A_37 = vector.shape_cast %swap3A_36 : vector<16xf32> to vector<16xf32>
    %swap3A_38 = vector.shape_cast %div3A_34 : vector<16xf32> to vector<16xf32>
    tpu.vector_store %arg7[%swap3A_35], %swap3A_38 {strides = array<i32>} : memref<512xf32, #tpu.memory_space<vmem>>, vector<16xf32>,
    %mul3A_39 = arith.constant 5.000000e-03 : f32
    %mul3A_40 = vector.broadcast %mul3A_39 : f32 to vector<16xf32>
    %mul3A_41 = arith.mulf %scan3A_7#2, %mul3A_40 : vector<16xf32>
    %neg3A_42 = arith.constant 0.000000e+00 : f32
    %neg3A_43 = vector.broadcast %neg3A_42 : f32 to vector<16xf32>
    %neg3A_44 = arith.subf %neg3A_43, %mul3A_41 : vector<16xf32>
    %exp3A_45 = math.exp %neg3A_44 : vector<16xf32>
    %add3A_46 = arith.constant 1.000000e+00 : f32
    %add3A_47 = vector.broadcast %add3A_46 : f32 to vector<16xf32>
    %add3A_48 = arith.addf %add3A_47, %exp3A_45 : vector<16xf32>
    %div3A_49 = arith.constant 1.000000e+00 : f32
    %div3A_50 = vector.broadcast %div3A_49 : f32 to vector<16xf32>
    %div3A_51 = arith.divf %div3A_50, %add3A_48 : vector<16xf32>
    %swap3A_52 = arith.constant 32 : index
    %swap3A_53 = tpu.vector_load %arg7[%swap3A_52] {strides = array<i32>} : memref<512xf32, #tpu.memory_space<vmem>>, vector<16xf32>,
    %swap3A_54 = vector.shape_cast %swap3A_53 : vector<16xf32> to vector<16xf32>
    %swap3A_55 = vector.shape_cast %div3A_51 : vector<16xf32> to vector<16xf32>
    tpu.vector_store %arg7[%swap3A_52], %swap3A_55 {strides = array<i32>} : memref<512xf32, #tpu.memory_space<vmem>>, vector<16xf32>,
    %mul3A_56 = arith.constant 5.000000e-03 : f32
    %mul3A_57 = vector.broadcast %mul3A_56 : f32 to vector<16xf32>
    %mul3A_58 = arith.mulf %scan3A_7#3, %mul3A_57 : vector<16xf32>
    %neg3A_59 = arith.constant 0.000000e+00 : f32
    %neg3A_60 = vector.broadcast %neg3A_59 : f32 to vector<16xf32>
    %neg3A_61 = arith.subf %neg3A_60, %mul3A_58 : vector<16xf32>
    %exp3A_62 = math.exp %neg3A_61 : vector<16xf32>
    %add3A_63 = arith.constant 1.000000e+00 : f32
    %add3A_64 = vector.broadcast %add3A_63 : f32 to vector<16xf32>
    %add3A_65 = arith.addf %add3A_64, %exp3A_62 : vector<16xf32>
    %div3A_66 = arith.constant 1.000000e+00 : f32
    %div3A_67 = vector.broadcast %div3A_66 : f32 to vector<16xf32>
    %div3A_68 = arith.divf %div3A_67, %add3A_65 : vector<16xf32>
    %swap3A_69 = arith.constant 48 : index
    %swap3A_70 = tpu.vector_load %arg7[%swap3A_69] {strides = array<i32>} : memref<512xf32, #tpu.memory_space<vmem>>, vector<16xf32>,
    %swap3A_71 = vector.shape_cast %swap3A_70 : vector<16xf32> to vector<16xf32>
    %swap3A_72 = vector.shape_cast %div3A_68 : vector<16xf32> to vector<16xf32>
    tpu.vector_store %arg7[%swap3A_69], %swap3A_72 {strides = array<i32>} : memref<512xf32, #tpu.memory_space<vmem>>, vector<16xf32>,
    %run_scoped3A_73 = arith.constant 1 : i32
    "tpu.region"() ({
      %run_scoped3A_628 = tpu.sem_alloc : memref<!tpu.dma_semaphore, #tpu.memory_space<semaphore_mem>>
      %dma_start3A_629 = arith.constant 0 : i32
      %dma_start3A_630 = tpu.memref_slice %arg3[%add3A, %run_scoped3A_73, %dma_start3A_629] : memref<32x8x12800xi32, #tpu.memory_space<hbm>> -> memref<1x1x12800xi32, #tpu.memory_space<hbm>>
      %dma_start3A_631 = tpu.memref_squeeze %dma_start3A_630 : memref<1x1x12800xi32, #tpu.memory_space<hbm>> -> memref<12800xi32, #tpu.memory_space<hbm>>
      %dma_start3A_632 = arith.constant 0 : i32
      %dma_start3A_633 = tpu.memref_slice %arg3[%add3A, %run_scoped3A_73, %dma_start3A_632] : memref<32x8x12800xi32, #tpu.memory_space<hbm>> -> memref<1x1x12800xi32, #tpu.memory_space<hbm>>
      %dma_start3A_634 = tpu.memref_squeeze %dma_start3A_633 : memref<1x1x12800xi32, #tpu.memory_space<hbm>> -> memref<12800xi32, #tpu.memory_space<hbm>>
      tpu.enqueue_dma source(%dma_start3A_634 : memref<12800xi32, #tpu.memory_space<hbm>>) target(%arg5 : memref<12800xi32, #tpu.memory_space<vmem>>) target_semaphore(%run_scoped3A_628 : memref<!tpu.dma_semaphore, #tpu.memory_space<semaphore_mem>>)
      %dma_wait3A_635 = arith.constant 0 : i32
      %dma_wait3A_636 = tpu.memref_slice %arg3[%add3A, %run_scoped3A_73, %dma_wait3A_635] : memref<32x8x12800xi32, #tpu.memory_space<hbm>> -> memref<1x1x12800xi32, #tpu.memory_space<hbm>>
      %dma_wait3A_637 = tpu.memref_squeeze %dma_wait3A_636 : memref<1x1x12800xi32, #tpu.memory_space<hbm>> -> memref<12800xi32, #tpu.memory_space<hbm>>
      %dma_wait3A_638 = arith.constant 0 : i32
      %dma_wait3A_639 = tpu.memref_slice %arg3[%add3A, %run_scoped3A_73, %dma_wait3A_638] : memref<32x8x12800xi32, #tpu.memory_space<hbm>> -> memref<1x1x12800xi32, #tpu.memory_space<hbm>>
      %dma_wait3A_640 = tpu.memref_squeeze %dma_wait3A_639 : memref<1x1x12800xi32, #tpu.memory_space<hbm>> -> memref<12800xi32, #tpu.memory_space<hbm>>
      tpu.wait_dma2 semaphore(%run_scoped3A_628 : memref<!tpu.dma_semaphore, #tpu.memory_space<semaphore_mem>>) src(%dma_wait3A_640 : memref<12800xi32, #tpu.memory_space<hbm>>) dst(%arg5 : memref<12800xi32, #tpu.memory_space<vmem>>)
      tpu.yield
    }) : () -> ()
    %dma_start3A_74 = arith.constant 0 : i32
    %dma_start3A_75 = tpu.memref_slice %arg2[%dma_start3A_74] : memref<1000000xf32, #tpu.memory_space<hbm>> -> memref<1000000xf32, #tpu.memory_space<hbm>>
    tpu.enqueue_indirect_dma source(%dma_start3A_75 : memref<1000000xf32, #tpu.memory_space<hbm>>) target(%arg6 : memref<12800xf32, #tpu.memory_space<vmem>>) offsets(%arg5 : memref<12800xi32, #tpu.memory_space<vmem>>) semaphore(%arg8 : memref<!tpu.dma_semaphore, #tpu.memory_space<semaphore_mem>>)
    %dma_wait3A_76 = arith.constant 0 : i32
    %dma_wait3A_77 = tpu.memref_slice %arg2[%dma_wait3A_76] : memref<1000000xf32, #tpu.memory_space<hbm>> -> memref<1000000xf32, #tpu.memory_space<hbm>>
    tpu.wait_indirect_dma semaphore(%arg8 : memref<!tpu.dma_semaphore, #tpu.memory_space<semaphore_mem>>) src(%dma_wait3A_77 : memref<1000000xf32, #tpu.memory_space<hbm>>) dst(%arg6 : memref<12800xf32, #tpu.memory_space<vmem>>)
    %scan3A_78 = arith.constant 0 : i32
    %scan3A_79 = arith.constant 200 : i32
    %scan3A_80 = arith.addi %scan3A_78, %scan3A_79 : i32
    %scan3A_81 = arith.constant 1 : i32
    %scan3A_82:4 = scf.for %scan3A_628 = %scan3A_78 to %scan3A_80 step %scan3A_81 iter_args(%scan3A_629 = %broadcast_in_dim3A_1, %scan3A_630 = %broadcast_in_dim3A_1, %scan3A_631 = %broadcast_in_dim3A_1, %scan3A_632 = %broadcast_in_dim3A_1) -> (vector<16xf32>, vector<16xf32>, vector<16xf32>, vector<16xf32>)  : i32 {
      %mul3A_633 = arith.constant 64 : i32
      %mul3A_634 = arith.muli %scan3A_628, %mul3A_633 : i32
      %add3A_635 = arith.constant 0 : i32
      %add3A_636 = arith.addi %mul3A_634, %add3A_635 : i32
      %get3A = arith.index_cast %add3A_636 : i32 to index
      %get3A_637 = tpu.vector_load %arg6[%get3A] {strides = array<i32>} : memref<12800xf32, #tpu.memory_space<vmem>>, vector<16xf32>,
      %get3A_638 = vector.shape_cast %get3A_637 : vector<16xf32> to vector<16xf32>
      %add3A_639 = arith.addf %scan3A_629, %get3A_638 : vector<16xf32>
      %mul3A_640 = arith.constant 64 : i32
      %mul3A_641 = arith.muli %scan3A_628, %mul3A_640 : i32
      %add3A_642 = arith.constant 16 : i32
      %add3A_643 = arith.addi %mul3A_641, %add3A_642 : i32
      %get3A_644 = arith.index_cast %add3A_643 : i32 to index
      %get3A_645 = tpu.vector_load %arg6[%get3A_644] {strides = array<i32>} : memref<12800xf32, #tpu.memory_space<vmem>>, vector<16xf32>,
      %get3A_646 = vector.shape_cast %get3A_645 : vector<16xf32> to vector<16xf32>
      %add3A_647 = arith.addf %scan3A_630, %get3A_646 : vector<16xf32>
      %mul3A_648 = arith.constant 64 : i32
      %mul3A_649 = arith.muli %scan3A_628, %mul3A_648 : i32
      %add3A_650 = arith.constant 32 : i32
      %add3A_651 = arith.addi %mul3A_649, %add3A_650 : i32
      %get3A_652 = arith.index_cast %add3A_651 : i32 to index
      %get3A_653 = tpu.vector_load %arg6[%get3A_652] {strides = array<i32>} : memref<12800xf32, #tpu.memory_space<vmem>>, vector<16xf32>,
      %get3A_654 = vector.shape_cast %get3A_653 : vector<16xf32> to vector<16xf32>
      %add3A_655 = arith.addf %scan3A_631, %get3A_654 : vector<16xf32>
      %mul3A_656 = arith.constant 64 : i32
      %mul3A_657 = arith.muli %scan3A_628, %mul3A_656 : i32
      %add3A_658 = arith.constant 48 : i32
      %add3A_659 = arith.addi %mul3A_657, %add3A_658 : i32
      %get3A_660 = arith.index_cast %add3A_659 : i32 to index
      %get3A_661 = tpu.vector_load %arg6[%get3A_660] {strides = array<i32>} : memref<12800xf32, #tpu.memory_space<vmem>>, vector<16xf32>,
      %get3A_662 = vector.shape_cast %get3A_661 : vector<16xf32> to vector<16xf32>
      %add3A_663 = arith.addf %scan3A_632, %get3A_662 : vector<16xf32>
      scf.yield %add3A_639, %add3A_647, %add3A_655, %add3A_663 : vector<16xf32>, vector<16xf32>, vector<16xf32>, vector<16xf32>
    }
    %scan3A_83 = arith.constant 200 : i32
    %mul3A_84 = arith.constant 5.000000e-03 : f32
    %mul3A_85 = vector.broadcast %mul3A_84 : f32 to vector<16xf32>
    %mul3A_86 = arith.mulf %scan3A_82#0, %mul3A_85 : vector<16xf32>
    %neg3A_87 = arith.constant 0.000000e+00 : f32
    %neg3A_88 = vector.broadcast %neg3A_87 : f32 to vector<16xf32>
    %neg3A_89 = arith.subf %neg3A_88, %mul3A_86 : vector<16xf32>
    %exp3A_90 = math.exp %neg3A_89 : vector<16xf32>
    %add3A_91 = arith.constant 1.000000e+00 : f32
    %add3A_92 = vector.broadcast %add3A_91 : f32 to vector<16xf32>
    %add3A_93 = arith.addf %add3A_92, %exp3A_90 : vector<16xf32>
    %div3A_94 = arith.constant 1.000000e+00 : f32
    %div3A_95 = vector.broadcast %div3A_94 : f32 to vector<16xf32>
    %div3A_96 = arith.divf %div3A_95, %add3A_93 : vector<16xf32>
    %swap3A_97 = arith.constant 64 : index
    %swap3A_98 = tpu.vector_load %arg7[%swap3A_97] {strides = array<i32>} : memref<512xf32, #tpu.memory_space<vmem>>, vector<16xf32>,
    %swap3A_99 = vector.shape_cast %swap3A_98 : vector<16xf32> to vector<16xf32>
    %swap3A_100 = vector.shape_cast %div3A_96 : vector<16xf32> to vector<16xf32>
    tpu.vector_store %arg7[%swap3A_97], %swap3A_100 {strides = array<i32>} : memref<512xf32, #tpu.memory_space<vmem>>, vector<16xf32>,
    %mul3A_101 = arith.constant 5.000000e-03 : f32
    %mul3A_102 = vector.broadcast %mul3A_101 : f32 to vector<16xf32>
    %mul3A_103 = arith.mulf %scan3A_82#1, %mul3A_102 : vector<16xf32>
    %neg3A_104 = arith.constant 0.000000e+00 : f32
    %neg3A_105 = vector.broadcast %neg3A_104 : f32 to vector<16xf32>
    %neg3A_106 = arith.subf %neg3A_105, %mul3A_103 : vector<16xf32>
    %exp3A_107 = math.exp %neg3A_106 : vector<16xf32>
    %add3A_108 = arith.constant 1.000000e+00 : f32
    %add3A_109 = vector.broadcast %add3A_108 : f32 to vector<16xf32>
    %add3A_110 = arith.addf %add3A_109, %exp3A_107 : vector<16xf32>
    %div3A_111 = arith.constant 1.000000e+00 : f32
    %div3A_112 = vector.broadcast %div3A_111 : f32 to vector<16xf32>
    %div3A_113 = arith.divf %div3A_112, %add3A_110 : vector<16xf32>
    %swap3A_114 = arith.constant 80 : index
    %swap3A_115 = tpu.vector_load %arg7[%swap3A_114] {strides = array<i32>} : memref<512xf32, #tpu.memory_space<vmem>>, vector<16xf32>,
    %swap3A_116 = vector.shape_cast %swap3A_115 : vector<16xf32> to vector<16xf32>
    %swap3A_117 = vector.shape_cast %div3A_113 : vector<16xf32> to vector<16xf32>
    tpu.vector_store %arg7[%swap3A_114], %swap3A_117 {strides = array<i32>} : memref<512xf32, #tpu.memory_space<vmem>>, vector<16xf32>,
    %mul3A_118 = arith.constant 5.000000e-03 : f32
    %mul3A_119 = vector.broadcast %mul3A_118 : f32 to vector<16xf32>
    %mul3A_120 = arith.mulf %scan3A_82#2, %mul3A_119 : vector<16xf32>
    %neg3A_121 = arith.constant 0.000000e+00 : f32
    %neg3A_122 = vector.broadcast %neg3A_121 : f32 to vector<16xf32>
    %neg3A_123 = arith.subf %neg3A_122, %mul3A_120 : vector<16xf32>
    %exp3A_124 = math.exp %neg3A_123 : vector<16xf32>
    %add3A_125 = arith.constant 1.000000e+00 : f32
    %add3A_126 = vector.broadcast %add3A_125 : f32 to vector<16xf32>
    %add3A_127 = arith.addf %add3A_126, %exp3A_124 : vector<16xf32>
    %div3A_128 = arith.constant 1.000000e+00 : f32
    %div3A_129 = vector.broadcast %div3A_128 : f32 to vector<16xf32>
    %div3A_130 = arith.divf %div3A_129, %add3A_127 : vector<16xf32>
    %swap3A_131 = arith.constant 96 : index
    %swap3A_132 = tpu.vector_load %arg7[%swap3A_131] {strides = array<i32>} : memref<512xf32, #tpu.memory_space<vmem>>, vector<16xf32>,
    %swap3A_133 = vector.shape_cast %swap3A_132 : vector<16xf32> to vector<16xf32>
    %swap3A_134 = vector.shape_cast %div3A_130 : vector<16xf32> to vector<16xf32>
    tpu.vector_store %arg7[%swap3A_131], %swap3A_134 {strides = array<i32>} : memref<512xf32, #tpu.memory_space<vmem>>, vector<16xf32>,
    %mul3A_135 = arith.constant 5.000000e-03 : f32
    %mul3A_136 = vector.broadcast %mul3A_135 : f32 to vector<16xf32>
    %mul3A_137 = arith.mulf %scan3A_82#3, %mul3A_136 : vector<16xf32>
    %neg3A_138 = arith.constant 0.000000e+00 : f32
    %neg3A_139 = vector.broadcast %neg3A_138 : f32 to vector<16xf32>
    %neg3A_140 = arith.subf %neg3A_139, %mul3A_137 : vector<16xf32>
    %exp3A_141 = math.exp %neg3A_140 : vector<16xf32>
    %add3A_142 = arith.constant 1.000000e+00 : f32
    %add3A_143 = vector.broadcast %add3A_142 : f32 to vector<16xf32>
    %add3A_144 = arith.addf %add3A_143, %exp3A_141 : vector<16xf32>
    %div3A_145 = arith.constant 1.000000e+00 : f32
    %div3A_146 = vector.broadcast %div3A_145 : f32 to vector<16xf32>
    %div3A_147 = arith.divf %div3A_146, %add3A_144 : vector<16xf32>
    %swap3A_148 = arith.constant 112 : index
    %swap3A_149 = tpu.vector_load %arg7[%swap3A_148] {strides = array<i32>} : memref<512xf32, #tpu.memory_space<vmem>>, vector<16xf32>,
    %swap3A_150 = vector.shape_cast %swap3A_149 : vector<16xf32> to vector<16xf32>
    %swap3A_151 = vector.shape_cast %div3A_147 : vector<16xf32> to vector<16xf32>
    tpu.vector_store %arg7[%swap3A_148], %swap3A_151 {strides = array<i32>} : memref<512xf32, #tpu.memory_space<vmem>>, vector<16xf32>,
    %run_scoped3A_152 = arith.constant 2 : i32
    "tpu.region"() ({
      %run_scoped3A_628 = tpu.sem_alloc : memref<!tpu.dma_semaphore, #tpu.memory_space<semaphore_mem>>
      %dma_start3A_629 = arith.constant 0 : i32
      %dma_start3A_630 = tpu.memref_slice %arg3[%add3A, %run_scoped3A_152, %dma_start3A_629] : memref<32x8x12800xi32, #tpu.memory_space<hbm>> -> memref<1x1x12800xi32, #tpu.memory_space<hbm>>
      %dma_start3A_631 = tpu.memref_squeeze %dma_start3A_630 : memref<1x1x12800xi32, #tpu.memory_space<hbm>> -> memref<12800xi32, #tpu.memory_space<hbm>>
      %dma_start3A_632 = arith.constant 0 : i32
      %dma_start3A_633 = tpu.memref_slice %arg3[%add3A, %run_scoped3A_152, %dma_start3A_632] : memref<32x8x12800xi32, #tpu.memory_space<hbm>> -> memref<1x1x12800xi32, #tpu.memory_space<hbm>>
      %dma_start3A_634 = tpu.memref_squeeze %dma_start3A_633 : memref<1x1x12800xi32, #tpu.memory_space<hbm>> -> memref<12800xi32, #tpu.memory_space<hbm>>
      tpu.enqueue_dma source(%dma_start3A_634 : memref<12800xi32, #tpu.memory_space<hbm>>) target(%arg5 : memref<12800xi32, #tpu.memory_space<vmem>>) target_semaphore(%run_scoped3A_628 : memref<!tpu.dma_semaphore, #tpu.memory_space<semaphore_mem>>)
      %dma_wait3A_635 = arith.constant 0 : i32
      %dma_wait3A_636 = tpu.memref_slice %arg3[%add3A, %run_scoped3A_152, %dma_wait3A_635] : memref<32x8x12800xi32, #tpu.memory_space<hbm>> -> memref<1x1x12800xi32, #tpu.memory_space<hbm>>
      %dma_wait3A_637 = tpu.memref_squeeze %dma_wait3A_636 : memref<1x1x12800xi32, #tpu.memory_space<hbm>> -> memref<12800xi32, #tpu.memory_space<hbm>>
      %dma_wait3A_638 = arith.constant 0 : i32
      %dma_wait3A_639 = tpu.memref_slice %arg3[%add3A, %run_scoped3A_152, %dma_wait3A_638] : memref<32x8x12800xi32, #tpu.memory_space<hbm>> -> memref<1x1x12800xi32, #tpu.memory_space<hbm>>
      %dma_wait3A_640 = tpu.memref_squeeze %dma_wait3A_639 : memref<1x1x12800xi32, #tpu.memory_space<hbm>> -> memref<12800xi32, #tpu.memory_space<hbm>>
      tpu.wait_dma2 semaphore(%run_scoped3A_628 : memref<!tpu.dma_semaphore, #tpu.memory_space<semaphore_mem>>) src(%dma_wait3A_640 : memref<12800xi32, #tpu.memory_space<hbm>>) dst(%arg5 : memref<12800xi32, #tpu.memory_space<vmem>>)
      tpu.yield
    }) : () -> ()
    %dma_start3A_153 = arith.constant 0 : i32
    %dma_start3A_154 = tpu.memref_slice %arg2[%dma_start3A_153] : memref<1000000xf32, #tpu.memory_space<hbm>> -> memref<1000000xf32, #tpu.memory_space<hbm>>
    tpu.enqueue_indirect_dma source(%dma_start3A_154 : memref<1000000xf32, #tpu.memory_space<hbm>>) target(%arg6 : memref<12800xf32, #tpu.memory_space<vmem>>) offsets(%arg5 : memref<12800xi32, #tpu.memory_space<vmem>>) semaphore(%arg8 : memref<!tpu.dma_semaphore, #tpu.memory_space<semaphore_mem>>)
    %dma_wait3A_155 = arith.constant 0 : i32
    %dma_wait3A_156 = tpu.memref_slice %arg2[%dma_wait3A_155] : memref<1000000xf32, #tpu.memory_space<hbm>> -> memref<1000000xf32, #tpu.memory_space<hbm>>
    tpu.wait_indirect_dma semaphore(%arg8 : memref<!tpu.dma_semaphore, #tpu.memory_space<semaphore_mem>>) src(%dma_wait3A_156 : memref<1000000xf32, #tpu.memory_space<hbm>>) dst(%arg6 : memref<12800xf32, #tpu.memory_space<vmem>>)
    %scan3A_157 = arith.constant 0 : i32
    %scan3A_158 = arith.constant 200 : i32
    %scan3A_159 = arith.addi %scan3A_157, %scan3A_158 : i32
    %scan3A_160 = arith.constant 1 : i32
    %scan3A_161:4 = scf.for %scan3A_628 = %scan3A_157 to %scan3A_159 step %scan3A_160 iter_args(%scan3A_629 = %broadcast_in_dim3A_1, %scan3A_630 = %broadcast_in_dim3A_1, %scan3A_631 = %broadcast_in_dim3A_1, %scan3A_632 = %broadcast_in_dim3A_1) -> (vector<16xf32>, vector<16xf32>, vector<16xf32>, vector<16xf32>)  : i32 {
      %mul3A_633 = arith.constant 64 : i32
      %mul3A_634 = arith.muli %scan3A_628, %mul3A_633 : i32
      %add3A_635 = arith.constant 0 : i32
      %add3A_636 = arith.addi %mul3A_634, %add3A_635 : i32
      %get3A = arith.index_cast %add3A_636 : i32 to index
      %get3A_637 = tpu.vector_load %arg6[%get3A] {strides = array<i32>} : memref<12800xf32, #tpu.memory_space<vmem>>, vector<16xf32>,
      %get3A_638 = vector.shape_cast %get3A_637 : vector<16xf32> to vector<16xf32>
      %add3A_639 = arith.addf %scan3A_629, %get3A_638 : vector<16xf32>
      %mul3A_640 = arith.constant 64 : i32
      %mul3A_641 = arith.muli %scan3A_628, %mul3A_640 : i32
      %add3A_642 = arith.constant 16 : i32
      %add3A_643 = arith.addi %mul3A_641, %add3A_642 : i32
      %get3A_644 = arith.index_cast %add3A_643 : i32 to index
      %get3A_645 = tpu.vector_load %arg6[%get3A_644] {strides = array<i32>} : memref<12800xf32, #tpu.memory_space<vmem>>, vector<16xf32>,
      %get3A_646 = vector.shape_cast %get3A_645 : vector<16xf32> to vector<16xf32>
      %add3A_647 = arith.addf %scan3A_630, %get3A_646 : vector<16xf32>
      %mul3A_648 = arith.constant 64 : i32
      %mul3A_649 = arith.muli %scan3A_628, %mul3A_648 : i32
      %add3A_650 = arith.constant 32 : i32
      %add3A_651 = arith.addi %mul3A_649, %add3A_650 : i32
      %get3A_652 = arith.index_cast %add3A_651 : i32 to index
      %get3A_653 = tpu.vector_load %arg6[%get3A_652] {strides = array<i32>} : memref<12800xf32, #tpu.memory_space<vmem>>, vector<16xf32>,
      %get3A_654 = vector.shape_cast %get3A_653 : vector<16xf32> to vector<16xf32>
      %add3A_655 = arith.addf %scan3A_631, %get3A_654 : vector<16xf32>
      %mul3A_656 = arith.constant 64 : i32
      %mul3A_657 = arith.muli %scan3A_628, %mul3A_656 : i32
      %add3A_658 = arith.constant 48 : i32
      %add3A_659 = arith.addi %mul3A_657, %add3A_658 : i32
      %get3A_660 = arith.index_cast %add3A_659 : i32 to index
      %get3A_661 = tpu.vector_load %arg6[%get3A_660] {strides = array<i32>} : memref<12800xf32, #tpu.memory_space<vmem>>, vector<16xf32>,
      %get3A_662 = vector.shape_cast %get3A_661 : vector<16xf32> to vector<16xf32>
      %add3A_663 = arith.addf %scan3A_632, %get3A_662 : vector<16xf32>
      scf.yield %add3A_639, %add3A_647, %add3A_655, %add3A_663 : vector<16xf32>, vector<16xf32>, vector<16xf32>, vector<16xf32>
    }
    %scan3A_162 = arith.constant 200 : i32
    %mul3A_163 = arith.constant 5.000000e-03 : f32
    %mul3A_164 = vector.broadcast %mul3A_163 : f32 to vector<16xf32>
    %mul3A_165 = arith.mulf %scan3A_161#0, %mul3A_164 : vector<16xf32>
    %neg3A_166 = arith.constant 0.000000e+00 : f32
    %neg3A_167 = vector.broadcast %neg3A_166 : f32 to vector<16xf32>
    %neg3A_168 = arith.subf %neg3A_167, %mul3A_165 : vector<16xf32>
    %exp3A_169 = math.exp %neg3A_168 : vector<16xf32>
    %add3A_170 = arith.constant 1.000000e+00 : f32
    %add3A_171 = vector.broadcast %add3A_170 : f32 to vector<16xf32>
    %add3A_172 = arith.addf %add3A_171, %exp3A_169 : vector<16xf32>
    %div3A_173 = arith.constant 1.000000e+00 : f32
    %div3A_174 = vector.broadcast %div3A_173 : f32 to vector<16xf32>
    %div3A_175 = arith.divf %div3A_174, %add3A_172 : vector<16xf32>
    %swap3A_176 = arith.constant 128 : index
    %swap3A_177 = tpu.vector_load %arg7[%swap3A_176] {strides = array<i32>} : memref<512xf32, #tpu.memory_space<vmem>>, vector<16xf32>,
    %swap3A_178 = vector.shape_cast %swap3A_177 : vector<16xf32> to vector<16xf32>
    %swap3A_179 = vector.shape_cast %div3A_175 : vector<16xf32> to vector<16xf32>
    tpu.vector_store %arg7[%swap3A_176], %swap3A_179 {strides = array<i32>} : memref<512xf32, #tpu.memory_space<vmem>>, vector<16xf32>,
    %mul3A_180 = arith.constant 5.000000e-03 : f32
    %mul3A_181 = vector.broadcast %mul3A_180 : f32 to vector<16xf32>
    %mul3A_182 = arith.mulf %scan3A_161#1, %mul3A_181 : vector<16xf32>
    %neg3A_183 = arith.constant 0.000000e+00 : f32
    %neg3A_184 = vector.broadcast %neg3A_183 : f32 to vector<16xf32>
    %neg3A_185 = arith.subf %neg3A_184, %mul3A_182 : vector<16xf32>
    %exp3A_186 = math.exp %neg3A_185 : vector<16xf32>
    %add3A_187 = arith.constant 1.000000e+00 : f32
    %add3A_188 = vector.broadcast %add3A_187 : f32 to vector<16xf32>
    %add3A_189 = arith.addf %add3A_188, %exp3A_186 : vector<16xf32>
    %div3A_190 = arith.constant 1.000000e+00 : f32
    %div3A_191 = vector.broadcast %div3A_190 : f32 to vector<16xf32>
    %div3A_192 = arith.divf %div3A_191, %add3A_189 : vector<16xf32>
    %swap3A_193 = arith.constant 144 : index
    %swap3A_194 = tpu.vector_load %arg7[%swap3A_193] {strides = array<i32>} : memref<512xf32, #tpu.memory_space<vmem>>, vector<16xf32>,
    %swap3A_195 = vector.shape_cast %swap3A_194 : vector<16xf32> to vector<16xf32>
    %swap3A_196 = vector.shape_cast %div3A_192 : vector<16xf32> to vector<16xf32>
    tpu.vector_store %arg7[%swap3A_193], %swap3A_196 {strides = array<i32>} : memref<512xf32, #tpu.memory_space<vmem>>, vector<16xf32>,
    %mul3A_197 = arith.constant 5.000000e-03 : f32
    %mul3A_198 = vector.broadcast %mul3A_197 : f32 to vector<16xf32>
    %mul3A_199 = arith.mulf %scan3A_161#2, %mul3A_198 : vector<16xf32>
    %neg3A_200 = arith.constant 0.000000e+00 : f32
    %neg3A_201 = vector.broadcast %neg3A_200 : f32 to vector<16xf32>
    %neg3A_202 = arith.subf %neg3A_201, %mul3A_199 : vector<16xf32>
    %exp3A_203 = math.exp %neg3A_202 : vector<16xf32>
    %add3A_204 = arith.constant 1.000000e+00 : f32
    %add3A_205 = vector.broadcast %add3A_204 : f32 to vector<16xf32>
    %add3A_206 = arith.addf %add3A_205, %exp3A_203 : vector<16xf32>
    %div3A_207 = arith.constant 1.000000e+00 : f32
    %div3A_208 = vector.broadcast %div3A_207 : f32 to vector<16xf32>
    %div3A_209 = arith.divf %div3A_208, %add3A_206 : vector<16xf32>
    %swap3A_210 = arith.constant 160 : index
    %swap3A_211 = tpu.vector_load %arg7[%swap3A_210] {strides = array<i32>} : memref<512xf32, #tpu.memory_space<vmem>>, vector<16xf32>,
    %swap3A_212 = vector.shape_cast %swap3A_211 : vector<16xf32> to vector<16xf32>
    %swap3A_213 = vector.shape_cast %div3A_209 : vector<16xf32> to vector<16xf32>
    tpu.vector_store %arg7[%swap3A_210], %swap3A_213 {strides = array<i32>} : memref<512xf32, #tpu.memory_space<vmem>>, vector<16xf32>,
    %mul3A_214 = arith.constant 5.000000e-03 : f32
    %mul3A_215 = vector.broadcast %mul3A_214 : f32 to vector<16xf32>
    %mul3A_216 = arith.mulf %scan3A_161#3, %mul3A_215 : vector<16xf32>
    %neg3A_217 = arith.constant 0.000000e+00 : f32
    %neg3A_218 = vector.broadcast %neg3A_217 : f32 to vector<16xf32>
    %neg3A_219 = arith.subf %neg3A_218, %mul3A_216 : vector<16xf32>
    %exp3A_220 = math.exp %neg3A_219 : vector<16xf32>
    %add3A_221 = arith.constant 1.000000e+00 : f32
    %add3A_222 = vector.broadcast %add3A_221 : f32 to vector<16xf32>
    %add3A_223 = arith.addf %add3A_222, %exp3A_220 : vector<16xf32>
    %div3A_224 = arith.constant 1.000000e+00 : f32
    %div3A_225 = vector.broadcast %div3A_224 : f32 to vector<16xf32>
    %div3A_226 = arith.divf %div3A_225, %add3A_223 : vector<16xf32>
    %swap3A_227 = arith.constant 176 : index
    %swap3A_228 = tpu.vector_load %arg7[%swap3A_227] {strides = array<i32>} : memref<512xf32, #tpu.memory_space<vmem>>, vector<16xf32>,
    %swap3A_229 = vector.shape_cast %swap3A_228 : vector<16xf32> to vector<16xf32>
    %swap3A_230 = vector.shape_cast %div3A_226 : vector<16xf32> to vector<16xf32>
    tpu.vector_store %arg7[%swap3A_227], %swap3A_230 {strides = array<i32>} : memref<512xf32, #tpu.memory_space<vmem>>, vector<16xf32>,
    %run_scoped3A_231 = arith.constant 3 : i32
    "tpu.region"() ({
      %run_scoped3A_628 = tpu.sem_alloc : memref<!tpu.dma_semaphore, #tpu.memory_space<semaphore_mem>>
      %dma_start3A_629 = arith.constant 0 : i32
      %dma_start3A_630 = tpu.memref_slice %arg3[%add3A, %run_scoped3A_231, %dma_start3A_629] : memref<32x8x12800xi32, #tpu.memory_space<hbm>> -> memref<1x1x12800xi32, #tpu.memory_space<hbm>>
      %dma_start3A_631 = tpu.memref_squeeze %dma_start3A_630 : memref<1x1x12800xi32, #tpu.memory_space<hbm>> -> memref<12800xi32, #tpu.memory_space<hbm>>
      %dma_start3A_632 = arith.constant 0 : i32
      %dma_start3A_633 = tpu.memref_slice %arg3[%add3A, %run_scoped3A_231, %dma_start3A_632] : memref<32x8x12800xi32, #tpu.memory_space<hbm>> -> memref<1x1x12800xi32, #tpu.memory_space<hbm>>
      %dma_start3A_634 = tpu.memref_squeeze %dma_start3A_633 : memref<1x1x12800xi32, #tpu.memory_space<hbm>> -> memref<12800xi32, #tpu.memory_space<hbm>>
      tpu.enqueue_dma source(%dma_start3A_634 : memref<12800xi32, #tpu.memory_space<hbm>>) target(%arg5 : memref<12800xi32, #tpu.memory_space<vmem>>) target_semaphore(%run_scoped3A_628 : memref<!tpu.dma_semaphore, #tpu.memory_space<semaphore_mem>>)
      %dma_wait3A_635 = arith.constant 0 : i32
      %dma_wait3A_636 = tpu.memref_slice %arg3[%add3A, %run_scoped3A_231, %dma_wait3A_635] : memref<32x8x12800xi32, #tpu.memory_space<hbm>> -> memref<1x1x12800xi32, #tpu.memory_space<hbm>>
      %dma_wait3A_637 = tpu.memref_squeeze %dma_wait3A_636 : memref<1x1x12800xi32, #tpu.memory_space<hbm>> -> memref<12800xi32, #tpu.memory_space<hbm>>
      %dma_wait3A_638 = arith.constant 0 : i32
      %dma_wait3A_639 = tpu.memref_slice %arg3[%add3A, %run_scoped3A_231, %dma_wait3A_638] : memref<32x8x12800xi32, #tpu.memory_space<hbm>> -> memref<1x1x12800xi32, #tpu.memory_space<hbm>>
      %dma_wait3A_640 = tpu.memref_squeeze %dma_wait3A_639 : memref<1x1x12800xi32, #tpu.memory_space<hbm>> -> memref<12800xi32, #tpu.memory_space<hbm>>
      tpu.wait_dma2 semaphore(%run_scoped3A_628 : memref<!tpu.dma_semaphore, #tpu.memory_space<semaphore_mem>>) src(%dma_wait3A_640 : memref<12800xi32, #tpu.memory_space<hbm>>) dst(%arg5 : memref<12800xi32, #tpu.memory_space<vmem>>)
      tpu.yield
    }) : () -> ()
    %dma_start3A_232 = arith.constant 0 : i32
    %dma_start3A_233 = tpu.memref_slice %arg2[%dma_start3A_232] : memref<1000000xf32, #tpu.memory_space<hbm>> -> memref<1000000xf32, #tpu.memory_space<hbm>>
    tpu.enqueue_indirect_dma source(%dma_start3A_233 : memref<1000000xf32, #tpu.memory_space<hbm>>) target(%arg6 : memref<12800xf32, #tpu.memory_space<vmem>>) offsets(%arg5 : memref<12800xi32, #tpu.memory_space<vmem>>) semaphore(%arg8 : memref<!tpu.dma_semaphore, #tpu.memory_space<semaphore_mem>>)
    %dma_wait3A_234 = arith.constant 0 : i32
    %dma_wait3A_235 = tpu.memref_slice %arg2[%dma_wait3A_234] : memref<1000000xf32, #tpu.memory_space<hbm>> -> memref<1000000xf32, #tpu.memory_space<hbm>>
    tpu.wait_indirect_dma semaphore(%arg8 : memref<!tpu.dma_semaphore, #tpu.memory_space<semaphore_mem>>) src(%dma_wait3A_235 : memref<1000000xf32, #tpu.memory_space<hbm>>) dst(%arg6 : memref<12800xf32, #tpu.memory_space<vmem>>)
    %scan3A_236 = arith.constant 0 : i32
    %scan3A_237 = arith.constant 200 : i32
    %scan3A_238 = arith.addi %scan3A_236, %scan3A_237 : i32
    %scan3A_239 = arith.constant 1 : i32
    %scan3A_240:4 = scf.for %scan3A_628 = %scan3A_236 to %scan3A_238 step %scan3A_239 iter_args(%scan3A_629 = %broadcast_in_dim3A_1, %scan3A_630 = %broadcast_in_dim3A_1, %scan3A_631 = %broadcast_in_dim3A_1, %scan3A_632 = %broadcast_in_dim3A_1) -> (vector<16xf32>, vector<16xf32>, vector<16xf32>, vector<16xf32>)  : i32 {
      %mul3A_633 = arith.constant 64 : i32
      %mul3A_634 = arith.muli %scan3A_628, %mul3A_633 : i32
      %add3A_635 = arith.constant 0 : i32
      %add3A_636 = arith.addi %mul3A_634, %add3A_635 : i32
      %get3A = arith.index_cast %add3A_636 : i32 to index
      %get3A_637 = tpu.vector_load %arg6[%get3A] {strides = array<i32>} : memref<12800xf32, #tpu.memory_space<vmem>>, vector<16xf32>,
      %get3A_638 = vector.shape_cast %get3A_637 : vector<16xf32> to vector<16xf32>
      %add3A_639 = arith.addf %scan3A_629, %get3A_638 : vector<16xf32>
      %mul3A_640 = arith.constant 64 : i32
      %mul3A_641 = arith.muli %scan3A_628, %mul3A_640 : i32
      %add3A_642 = arith.constant 16 : i32
      %add3A_643 = arith.addi %mul3A_641, %add3A_642 : i32
      %get3A_644 = arith.index_cast %add3A_643 : i32 to index
      %get3A_645 = tpu.vector_load %arg6[%get3A_644] {strides = array<i32>} : memref<12800xf32, #tpu.memory_space<vmem>>, vector<16xf32>,
      %get3A_646 = vector.shape_cast %get3A_645 : vector<16xf32> to vector<16xf32>
      %add3A_647 = arith.addf %scan3A_630, %get3A_646 : vector<16xf32>
      %mul3A_648 = arith.constant 64 : i32
      %mul3A_649 = arith.muli %scan3A_628, %mul3A_648 : i32
      %add3A_650 = arith.constant 32 : i32
      %add3A_651 = arith.addi %mul3A_649, %add3A_650 : i32
      %get3A_652 = arith.index_cast %add3A_651 : i32 to index
      %get3A_653 = tpu.vector_load %arg6[%get3A_652] {strides = array<i32>} : memref<12800xf32, #tpu.memory_space<vmem>>, vector<16xf32>,
      %get3A_654 = vector.shape_cast %get3A_653 : vector<16xf32> to vector<16xf32>
      %add3A_655 = arith.addf %scan3A_631, %get3A_654 : vector<16xf32>
      %mul3A_656 = arith.constant 64 : i32
      %mul3A_657 = arith.muli %scan3A_628, %mul3A_656 : i32
      %add3A_658 = arith.constant 48 : i32
      %add3A_659 = arith.addi %mul3A_657, %add3A_658 : i32
      %get3A_660 = arith.index_cast %add3A_659 : i32 to index
      %get3A_661 = tpu.vector_load %arg6[%get3A_660] {strides = array<i32>} : memref<12800xf32, #tpu.memory_space<vmem>>, vector<16xf32>,
      %get3A_662 = vector.shape_cast %get3A_661 : vector<16xf32> to vector<16xf32>
      %add3A_663 = arith.addf %scan3A_632, %get3A_662 : vector<16xf32>
      scf.yield %add3A_639, %add3A_647, %add3A_655, %add3A_663 : vector<16xf32>, vector<16xf32>, vector<16xf32>, vector<16xf32>
    }
    %scan3A_241 = arith.constant 200 : i32
    %mul3A_242 = arith.constant 5.000000e-03 : f32
    %mul3A_243 = vector.broadcast %mul3A_242 : f32 to vector<16xf32>
    %mul3A_244 = arith.mulf %scan3A_240#0, %mul3A_243 : vector<16xf32>
    %neg3A_245 = arith.constant 0.000000e+00 : f32
    %neg3A_246 = vector.broadcast %neg3A_245 : f32 to vector<16xf32>
    %neg3A_247 = arith.subf %neg3A_246, %mul3A_244 : vector<16xf32>
    %exp3A_248 = math.exp %neg3A_247 : vector<16xf32>
    %add3A_249 = arith.constant 1.000000e+00 : f32
    %add3A_250 = vector.broadcast %add3A_249 : f32 to vector<16xf32>
    %add3A_251 = arith.addf %add3A_250, %exp3A_248 : vector<16xf32>
    %div3A_252 = arith.constant 1.000000e+00 : f32
    %div3A_253 = vector.broadcast %div3A_252 : f32 to vector<16xf32>
    %div3A_254 = arith.divf %div3A_253, %add3A_251 : vector<16xf32>
    %swap3A_255 = arith.constant 192 : index
    %swap3A_256 = tpu.vector_load %arg7[%swap3A_255] {strides = array<i32>} : memref<512xf32, #tpu.memory_space<vmem>>, vector<16xf32>,
    %swap3A_257 = vector.shape_cast %swap3A_256 : vector<16xf32> to vector<16xf32>
    %swap3A_258 = vector.shape_cast %div3A_254 : vector<16xf32> to vector<16xf32>
    tpu.vector_store %arg7[%swap3A_255], %swap3A_258 {strides = array<i32>} : memref<512xf32, #tpu.memory_space<vmem>>, vector<16xf32>,
    %mul3A_259 = arith.constant 5.000000e-03 : f32
    %mul3A_260 = vector.broadcast %mul3A_259 : f32 to vector<16xf32>
    %mul3A_261 = arith.mulf %scan3A_240#1, %mul3A_260 : vector<16xf32>
    %neg3A_262 = arith.constant 0.000000e+00 : f32
    %neg3A_263 = vector.broadcast %neg3A_262 : f32 to vector<16xf32>
    %neg3A_264 = arith.subf %neg3A_263, %mul3A_261 : vector<16xf32>
    %exp3A_265 = math.exp %neg3A_264 : vector<16xf32>
    %add3A_266 = arith.constant 1.000000e+00 : f32
    %add3A_267 = vector.broadcast %add3A_266 : f32 to vector<16xf32>
    %add3A_268 = arith.addf %add3A_267, %exp3A_265 : vector<16xf32>
    %div3A_269 = arith.constant 1.000000e+00 : f32
    %div3A_270 = vector.broadcast %div3A_269 : f32 to vector<16xf32>
    %div3A_271 = arith.divf %div3A_270, %add3A_268 : vector<16xf32>
    %swap3A_272 = arith.constant 208 : index
    %swap3A_273 = tpu.vector_load %arg7[%swap3A_272] {strides = array<i32>} : memref<512xf32, #tpu.memory_space<vmem>>, vector<16xf32>,
    %swap3A_274 = vector.shape_cast %swap3A_273 : vector<16xf32> to vector<16xf32>
    %swap3A_275 = vector.shape_cast %div3A_271 : vector<16xf32> to vector<16xf32>
    tpu.vector_store %arg7[%swap3A_272], %swap3A_275 {strides = array<i32>} : memref<512xf32, #tpu.memory_space<vmem>>, vector<16xf32>,
    %mul3A_276 = arith.constant 5.000000e-03 : f32
    %mul3A_277 = vector.broadcast %mul3A_276 : f32 to vector<16xf32>
    %mul3A_278 = arith.mulf %scan3A_240#2, %mul3A_277 : vector<16xf32>
    %neg3A_279 = arith.constant 0.000000e+00 : f32
    %neg3A_280 = vector.broadcast %neg3A_279 : f32 to vector<16xf32>
    %neg3A_281 = arith.subf %neg3A_280, %mul3A_278 : vector<16xf32>
    %exp3A_282 = math.exp %neg3A_281 : vector<16xf32>
    %add3A_283 = arith.constant 1.000000e+00 : f32
    %add3A_284 = vector.broadcast %add3A_283 : f32 to vector<16xf32>
    %add3A_285 = arith.addf %add3A_284, %exp3A_282 : vector<16xf32>
    %div3A_286 = arith.constant 1.000000e+00 : f32
    %div3A_287 = vector.broadcast %div3A_286 : f32 to vector<16xf32>
    %div3A_288 = arith.divf %div3A_287, %add3A_285 : vector<16xf32>
    %swap3A_289 = arith.constant 224 : index
    %swap3A_290 = tpu.vector_load %arg7[%swap3A_289] {strides = array<i32>} : memref<512xf32, #tpu.memory_space<vmem>>, vector<16xf32>,
    %swap3A_291 = vector.shape_cast %swap3A_290 : vector<16xf32> to vector<16xf32>
    %swap3A_292 = vector.shape_cast %div3A_288 : vector<16xf32> to vector<16xf32>
    tpu.vector_store %arg7[%swap3A_289], %swap3A_292 {strides = array<i32>} : memref<512xf32, #tpu.memory_space<vmem>>, vector<16xf32>,
    %mul3A_293 = arith.constant 5.000000e-03 : f32
    %mul3A_294 = vector.broadcast %mul3A_293 : f32 to vector<16xf32>
    %mul3A_295 = arith.mulf %scan3A_240#3, %mul3A_294 : vector<16xf32>
    %neg3A_296 = arith.constant 0.000000e+00 : f32
    %neg3A_297 = vector.broadcast %neg3A_296 : f32 to vector<16xf32>
    %neg3A_298 = arith.subf %neg3A_297, %mul3A_295 : vector<16xf32>
    %exp3A_299 = math.exp %neg3A_298 : vector<16xf32>
    %add3A_300 = arith.constant 1.000000e+00 : f32
    %add3A_301 = vector.broadcast %add3A_300 : f32 to vector<16xf32>
    %add3A_302 = arith.addf %add3A_301, %exp3A_299 : vector<16xf32>
    %div3A_303 = arith.constant 1.000000e+00 : f32
    %div3A_304 = vector.broadcast %div3A_303 : f32 to vector<16xf32>
    %div3A_305 = arith.divf %div3A_304, %add3A_302 : vector<16xf32>
    %swap3A_306 = arith.constant 240 : index
    %swap3A_307 = tpu.vector_load %arg7[%swap3A_306] {strides = array<i32>} : memref<512xf32, #tpu.memory_space<vmem>>, vector<16xf32>,
    %swap3A_308 = vector.shape_cast %swap3A_307 : vector<16xf32> to vector<16xf32>
    %swap3A_309 = vector.shape_cast %div3A_305 : vector<16xf32> to vector<16xf32>
    tpu.vector_store %arg7[%swap3A_306], %swap3A_309 {strides = array<i32>} : memref<512xf32, #tpu.memory_space<vmem>>, vector<16xf32>,
    %run_scoped3A_310 = arith.constant 4 : i32
    "tpu.region"() ({
      %run_scoped3A_628 = tpu.sem_alloc : memref<!tpu.dma_semaphore, #tpu.memory_space<semaphore_mem>>
      %dma_start3A_629 = arith.constant 0 : i32
      %dma_start3A_630 = tpu.memref_slice %arg3[%add3A, %run_scoped3A_310, %dma_start3A_629] : memref<32x8x12800xi32, #tpu.memory_space<hbm>> -> memref<1x1x12800xi32, #tpu.memory_space<hbm>>
      %dma_start3A_631 = tpu.memref_squeeze %dma_start3A_630 : memref<1x1x12800xi32, #tpu.memory_space<hbm>> -> memref<12800xi32, #tpu.memory_space<hbm>>
      %dma_start3A_632 = arith.constant 0 : i32
      %dma_start3A_633 = tpu.memref_slice %arg3[%add3A, %run_scoped3A_310, %dma_start3A_632] : memref<32x8x12800xi32, #tpu.memory_space<hbm>> -> memref<1x1x12800xi32, #tpu.memory_space<hbm>>
      %dma_start3A_634 = tpu.memref_squeeze %dma_start3A_633 : memref<1x1x12800xi32, #tpu.memory_space<hbm>> -> memref<12800xi32, #tpu.memory_space<hbm>>
      tpu.enqueue_dma source(%dma_start3A_634 : memref<12800xi32, #tpu.memory_space<hbm>>) target(%arg5 : memref<12800xi32, #tpu.memory_space<vmem>>) target_semaphore(%run_scoped3A_628 : memref<!tpu.dma_semaphore, #tpu.memory_space<semaphore_mem>>)
      %dma_wait3A_635 = arith.constant 0 : i32
      %dma_wait3A_636 = tpu.memref_slice %arg3[%add3A, %run_scoped3A_310, %dma_wait3A_635] : memref<32x8x12800xi32, #tpu.memory_space<hbm>> -> memref<1x1x12800xi32, #tpu.memory_space<hbm>>
      %dma_wait3A_637 = tpu.memref_squeeze %dma_wait3A_636 : memref<1x1x12800xi32, #tpu.memory_space<hbm>> -> memref<12800xi32, #tpu.memory_space<hbm>>
      %dma_wait3A_638 = arith.constant 0 : i32
      %dma_wait3A_639 = tpu.memref_slice %arg3[%add3A, %run_scoped3A_310, %dma_wait3A_638] : memref<32x8x12800xi32, #tpu.memory_space<hbm>> -> memref<1x1x12800xi32, #tpu.memory_space<hbm>>
      %dma_wait3A_640 = tpu.memref_squeeze %dma_wait3A_639 : memref<1x1x12800xi32, #tpu.memory_space<hbm>> -> memref<12800xi32, #tpu.memory_space<hbm>>
      tpu.wait_dma2 semaphore(%run_scoped3A_628 : memref<!tpu.dma_semaphore, #tpu.memory_space<semaphore_mem>>) src(%dma_wait3A_640 : memref<12800xi32, #tpu.memory_space<hbm>>) dst(%arg5 : memref<12800xi32, #tpu.memory_space<vmem>>)
      tpu.yield
    }) : () -> ()
    %dma_start3A_311 = arith.constant 0 : i32
    %dma_start3A_312 = tpu.memref_slice %arg2[%dma_start3A_311] : memref<1000000xf32, #tpu.memory_space<hbm>> -> memref<1000000xf32, #tpu.memory_space<hbm>>
    tpu.enqueue_indirect_dma source(%dma_start3A_312 : memref<1000000xf32, #tpu.memory_space<hbm>>) target(%arg6 : memref<12800xf32, #tpu.memory_space<vmem>>) offsets(%arg5 : memref<12800xi32, #tpu.memory_space<vmem>>) semaphore(%arg8 : memref<!tpu.dma_semaphore, #tpu.memory_space<semaphore_mem>>)
    %dma_wait3A_313 = arith.constant 0 : i32
    %dma_wait3A_314 = tpu.memref_slice %arg2[%dma_wait3A_313] : memref<1000000xf32, #tpu.memory_space<hbm>> -> memref<1000000xf32, #tpu.memory_space<hbm>>
    tpu.wait_indirect_dma semaphore(%arg8 : memref<!tpu.dma_semaphore, #tpu.memory_space<semaphore_mem>>) src(%dma_wait3A_314 : memref<1000000xf32, #tpu.memory_space<hbm>>) dst(%arg6 : memref<12800xf32, #tpu.memory_space<vmem>>)
    %scan3A_315 = arith.constant 0 : i32
    %scan3A_316 = arith.constant 200 : i32
    %scan3A_317 = arith.addi %scan3A_315, %scan3A_316 : i32
    %scan3A_318 = arith.constant 1 : i32
    %scan3A_319:4 = scf.for %scan3A_628 = %scan3A_315 to %scan3A_317 step %scan3A_318 iter_args(%scan3A_629 = %broadcast_in_dim3A_1, %scan3A_630 = %broadcast_in_dim3A_1, %scan3A_631 = %broadcast_in_dim3A_1, %scan3A_632 = %broadcast_in_dim3A_1) -> (vector<16xf32>, vector<16xf32>, vector<16xf32>, vector<16xf32>)  : i32 {
      %mul3A_633 = arith.constant 64 : i32
      %mul3A_634 = arith.muli %scan3A_628, %mul3A_633 : i32
      %add3A_635 = arith.constant 0 : i32
      %add3A_636 = arith.addi %mul3A_634, %add3A_635 : i32
      %get3A = arith.index_cast %add3A_636 : i32 to index
      %get3A_637 = tpu.vector_load %arg6[%get3A] {strides = array<i32>} : memref<12800xf32, #tpu.memory_space<vmem>>, vector<16xf32>,
      %get3A_638 = vector.shape_cast %get3A_637 : vector<16xf32> to vector<16xf32>
      %add3A_639 = arith.addf %scan3A_629, %get3A_638 : vector<16xf32>
      %mul3A_640 = arith.constant 64 : i32
      %mul3A_641 = arith.muli %scan3A_628, %mul3A_640 : i32
      %add3A_642 = arith.constant 16 : i32
      %add3A_643 = arith.addi %mul3A_641, %add3A_642 : i32
      %get3A_644 = arith.index_cast %add3A_643 : i32 to index
      %get3A_645 = tpu.vector_load %arg6[%get3A_644] {strides = array<i32>} : memref<12800xf32, #tpu.memory_space<vmem>>, vector<16xf32>,
      %get3A_646 = vector.shape_cast %get3A_645 : vector<16xf32> to vector<16xf32>
      %add3A_647 = arith.addf %scan3A_630, %get3A_646 : vector<16xf32>
      %mul3A_648 = arith.constant 64 : i32
      %mul3A_649 = arith.muli %scan3A_628, %mul3A_648 : i32
      %add3A_650 = arith.constant 32 : i32
      %add3A_651 = arith.addi %mul3A_649, %add3A_650 : i32
      %get3A_652 = arith.index_cast %add3A_651 : i32 to index
      %get3A_653 = tpu.vector_load %arg6[%get3A_652] {strides = array<i32>} : memref<12800xf32, #tpu.memory_space<vmem>>, vector<16xf32>,
      %get3A_654 = vector.shape_cast %get3A_653 : vector<16xf32> to vector<16xf32>
      %add3A_655 = arith.addf %scan3A_631, %get3A_654 : vector<16xf32>
      %mul3A_656 = arith.constant 64 : i32
      %mul3A_657 = arith.muli %scan3A_628, %mul3A_656 : i32
      %add3A_658 = arith.constant 48 : i32
      %add3A_659 = arith.addi %mul3A_657, %add3A_658 : i32
      %get3A_660 = arith.index_cast %add3A_659 : i32 to index
      %get3A_661 = tpu.vector_load %arg6[%get3A_660] {strides = array<i32>} : memref<12800xf32, #tpu.memory_space<vmem>>, vector<16xf32>,
      %get3A_662 = vector.shape_cast %get3A_661 : vector<16xf32> to vector<16xf32>
      %add3A_663 = arith.addf %scan3A_632, %get3A_662 : vector<16xf32>
      scf.yield %add3A_639, %add3A_647, %add3A_655, %add3A_663 : vector<16xf32>, vector<16xf32>, vector<16xf32>, vector<16xf32>
    }
    %scan3A_320 = arith.constant 200 : i32
    %mul3A_321 = arith.constant 5.000000e-03 : f32
    %mul3A_322 = vector.broadcast %mul3A_321 : f32 to vector<16xf32>
    %mul3A_323 = arith.mulf %scan3A_319#0, %mul3A_322 : vector<16xf32>
    %neg3A_324 = arith.constant 0.000000e+00 : f32
    %neg3A_325 = vector.broadcast %neg3A_324 : f32 to vector<16xf32>
    %neg3A_326 = arith.subf %neg3A_325, %mul3A_323 : vector<16xf32>
    %exp3A_327 = math.exp %neg3A_326 : vector<16xf32>
    %add3A_328 = arith.constant 1.000000e+00 : f32
    %add3A_329 = vector.broadcast %add3A_328 : f32 to vector<16xf32>
    %add3A_330 = arith.addf %add3A_329, %exp3A_327 : vector<16xf32>
    %div3A_331 = arith.constant 1.000000e+00 : f32
    %div3A_332 = vector.broadcast %div3A_331 : f32 to vector<16xf32>
    %div3A_333 = arith.divf %div3A_332, %add3A_330 : vector<16xf32>
    %swap3A_334 = arith.constant 256 : index
    %swap3A_335 = tpu.vector_load %arg7[%swap3A_334] {strides = array<i32>} : memref<512xf32, #tpu.memory_space<vmem>>, vector<16xf32>,
    %swap3A_336 = vector.shape_cast %swap3A_335 : vector<16xf32> to vector<16xf32>
    %swap3A_337 = vector.shape_cast %div3A_333 : vector<16xf32> to vector<16xf32>
    tpu.vector_store %arg7[%swap3A_334], %swap3A_337 {strides = array<i32>} : memref<512xf32, #tpu.memory_space<vmem>>, vector<16xf32>,
    %mul3A_338 = arith.constant 5.000000e-03 : f32
    %mul3A_339 = vector.broadcast %mul3A_338 : f32 to vector<16xf32>
    %mul3A_340 = arith.mulf %scan3A_319#1, %mul3A_339 : vector<16xf32>
    %neg3A_341 = arith.constant 0.000000e+00 : f32
    %neg3A_342 = vector.broadcast %neg3A_341 : f32 to vector<16xf32>
    %neg3A_343 = arith.subf %neg3A_342, %mul3A_340 : vector<16xf32>
    %exp3A_344 = math.exp %neg3A_343 : vector<16xf32>
    %add3A_345 = arith.constant 1.000000e+00 : f32
    %add3A_346 = vector.broadcast %add3A_345 : f32 to vector<16xf32>
    %add3A_347 = arith.addf %add3A_346, %exp3A_344 : vector<16xf32>
    %div3A_348 = arith.constant 1.000000e+00 : f32
    %div3A_349 = vector.broadcast %div3A_348 : f32 to vector<16xf32>
    %div3A_350 = arith.divf %div3A_349, %add3A_347 : vector<16xf32>
    %swap3A_351 = arith.constant 272 : index
    %swap3A_352 = tpu.vector_load %arg7[%swap3A_351] {strides = array<i32>} : memref<512xf32, #tpu.memory_space<vmem>>, vector<16xf32>,
    %swap3A_353 = vector.shape_cast %swap3A_352 : vector<16xf32> to vector<16xf32>
    %swap3A_354 = vector.shape_cast %div3A_350 : vector<16xf32> to vector<16xf32>
    tpu.vector_store %arg7[%swap3A_351], %swap3A_354 {strides = array<i32>} : memref<512xf32, #tpu.memory_space<vmem>>, vector<16xf32>,
    %mul3A_355 = arith.constant 5.000000e-03 : f32
    %mul3A_356 = vector.broadcast %mul3A_355 : f32 to vector<16xf32>
    %mul3A_357 = arith.mulf %scan3A_319#2, %mul3A_356 : vector<16xf32>
    %neg3A_358 = arith.constant 0.000000e+00 : f32
    %neg3A_359 = vector.broadcast %neg3A_358 : f32 to vector<16xf32>
    %neg3A_360 = arith.subf %neg3A_359, %mul3A_357 : vector<16xf32>
    %exp3A_361 = math.exp %neg3A_360 : vector<16xf32>
    %add3A_362 = arith.constant 1.000000e+00 : f32
    %add3A_363 = vector.broadcast %add3A_362 : f32 to vector<16xf32>
    %add3A_364 = arith.addf %add3A_363, %exp3A_361 : vector<16xf32>
    %div3A_365 = arith.constant 1.000000e+00 : f32
    %div3A_366 = vector.broadcast %div3A_365 : f32 to vector<16xf32>
    %div3A_367 = arith.divf %div3A_366, %add3A_364 : vector<16xf32>
    %swap3A_368 = arith.constant 288 : index
    %swap3A_369 = tpu.vector_load %arg7[%swap3A_368] {strides = array<i32>} : memref<512xf32, #tpu.memory_space<vmem>>, vector<16xf32>,
    %swap3A_370 = vector.shape_cast %swap3A_369 : vector<16xf32> to vector<16xf32>
    %swap3A_371 = vector.shape_cast %div3A_367 : vector<16xf32> to vector<16xf32>
    tpu.vector_store %arg7[%swap3A_368], %swap3A_371 {strides = array<i32>} : memref<512xf32, #tpu.memory_space<vmem>>, vector<16xf32>,
    %mul3A_372 = arith.constant 5.000000e-03 : f32
    %mul3A_373 = vector.broadcast %mul3A_372 : f32 to vector<16xf32>
    %mul3A_374 = arith.mulf %scan3A_319#3, %mul3A_373 : vector<16xf32>
    %neg3A_375 = arith.constant 0.000000e+00 : f32
    %neg3A_376 = vector.broadcast %neg3A_375 : f32 to vector<16xf32>
    %neg3A_377 = arith.subf %neg3A_376, %mul3A_374 : vector<16xf32>
    %exp3A_378 = math.exp %neg3A_377 : vector<16xf32>
    %add3A_379 = arith.constant 1.000000e+00 : f32
    %add3A_380 = vector.broadcast %add3A_379 : f32 to vector<16xf32>
    %add3A_381 = arith.addf %add3A_380, %exp3A_378 : vector<16xf32>
    %div3A_382 = arith.constant 1.000000e+00 : f32
    %div3A_383 = vector.broadcast %div3A_382 : f32 to vector<16xf32>
    %div3A_384 = arith.divf %div3A_383, %add3A_381 : vector<16xf32>
    %swap3A_385 = arith.constant 304 : index
    %swap3A_386 = tpu.vector_load %arg7[%swap3A_385] {strides = array<i32>} : memref<512xf32, #tpu.memory_space<vmem>>, vector<16xf32>,
    %swap3A_387 = vector.shape_cast %swap3A_386 : vector<16xf32> to vector<16xf32>
    %swap3A_388 = vector.shape_cast %div3A_384 : vector<16xf32> to vector<16xf32>
    tpu.vector_store %arg7[%swap3A_385], %swap3A_388 {strides = array<i32>} : memref<512xf32, #tpu.memory_space<vmem>>, vector<16xf32>,
    %run_scoped3A_389 = arith.constant 5 : i32
    "tpu.region"() ({
      %run_scoped3A_628 = tpu.sem_alloc : memref<!tpu.dma_semaphore, #tpu.memory_space<semaphore_mem>>
      %dma_start3A_629 = arith.constant 0 : i32
      %dma_start3A_630 = tpu.memref_slice %arg3[%add3A, %run_scoped3A_389, %dma_start3A_629] : memref<32x8x12800xi32, #tpu.memory_space<hbm>> -> memref<1x1x12800xi32, #tpu.memory_space<hbm>>
      %dma_start3A_631 = tpu.memref_squeeze %dma_start3A_630 : memref<1x1x12800xi32, #tpu.memory_space<hbm>> -> memref<12800xi32, #tpu.memory_space<hbm>>
      %dma_start3A_632 = arith.constant 0 : i32
      %dma_start3A_633 = tpu.memref_slice %arg3[%add3A, %run_scoped3A_389, %dma_start3A_632] : memref<32x8x12800xi32, #tpu.memory_space<hbm>> -> memref<1x1x12800xi32, #tpu.memory_space<hbm>>
      %dma_start3A_634 = tpu.memref_squeeze %dma_start3A_633 : memref<1x1x12800xi32, #tpu.memory_space<hbm>> -> memref<12800xi32, #tpu.memory_space<hbm>>
      tpu.enqueue_dma source(%dma_start3A_634 : memref<12800xi32, #tpu.memory_space<hbm>>) target(%arg5 : memref<12800xi32, #tpu.memory_space<vmem>>) target_semaphore(%run_scoped3A_628 : memref<!tpu.dma_semaphore, #tpu.memory_space<semaphore_mem>>)
      %dma_wait3A_635 = arith.constant 0 : i32
      %dma_wait3A_636 = tpu.memref_slice %arg3[%add3A, %run_scoped3A_389, %dma_wait3A_635] : memref<32x8x12800xi32, #tpu.memory_space<hbm>> -> memref<1x1x12800xi32, #tpu.memory_space<hbm>>
      %dma_wait3A_637 = tpu.memref_squeeze %dma_wait3A_636 : memref<1x1x12800xi32, #tpu.memory_space<hbm>> -> memref<12800xi32, #tpu.memory_space<hbm>>
      %dma_wait3A_638 = arith.constant 0 : i32
      %dma_wait3A_639 = tpu.memref_slice %arg3[%add3A, %run_scoped3A_389, %dma_wait3A_638] : memref<32x8x12800xi32, #tpu.memory_space<hbm>> -> memref<1x1x12800xi32, #tpu.memory_space<hbm>>
      %dma_wait3A_640 = tpu.memref_squeeze %dma_wait3A_639 : memref<1x1x12800xi32, #tpu.memory_space<hbm>> -> memref<12800xi32, #tpu.memory_space<hbm>>
      tpu.wait_dma2 semaphore(%run_scoped3A_628 : memref<!tpu.dma_semaphore, #tpu.memory_space<semaphore_mem>>) src(%dma_wait3A_640 : memref<12800xi32, #tpu.memory_space<hbm>>) dst(%arg5 : memref<12800xi32, #tpu.memory_space<vmem>>)
      tpu.yield
    }) : () -> ()
    %dma_start3A_390 = arith.constant 0 : i32
    %dma_start3A_391 = tpu.memref_slice %arg2[%dma_start3A_390] : memref<1000000xf32, #tpu.memory_space<hbm>> -> memref<1000000xf32, #tpu.memory_space<hbm>>
    tpu.enqueue_indirect_dma source(%dma_start3A_391 : memref<1000000xf32, #tpu.memory_space<hbm>>) target(%arg6 : memref<12800xf32, #tpu.memory_space<vmem>>) offsets(%arg5 : memref<12800xi32, #tpu.memory_space<vmem>>) semaphore(%arg8 : memref<!tpu.dma_semaphore, #tpu.memory_space<semaphore_mem>>)
    %dma_wait3A_392 = arith.constant 0 : i32
    %dma_wait3A_393 = tpu.memref_slice %arg2[%dma_wait3A_392] : memref<1000000xf32, #tpu.memory_space<hbm>> -> memref<1000000xf32, #tpu.memory_space<hbm>>
    tpu.wait_indirect_dma semaphore(%arg8 : memref<!tpu.dma_semaphore, #tpu.memory_space<semaphore_mem>>) src(%dma_wait3A_393 : memref<1000000xf32, #tpu.memory_space<hbm>>) dst(%arg6 : memref<12800xf32, #tpu.memory_space<vmem>>)
    %scan3A_394 = arith.constant 0 : i32
    %scan3A_395 = arith.constant 200 : i32
    %scan3A_396 = arith.addi %scan3A_394, %scan3A_395 : i32
    %scan3A_397 = arith.constant 1 : i32
    %scan3A_398:4 = scf.for %scan3A_628 = %scan3A_394 to %scan3A_396 step %scan3A_397 iter_args(%scan3A_629 = %broadcast_in_dim3A_1, %scan3A_630 = %broadcast_in_dim3A_1, %scan3A_631 = %broadcast_in_dim3A_1, %scan3A_632 = %broadcast_in_dim3A_1) -> (vector<16xf32>, vector<16xf32>, vector<16xf32>, vector<16xf32>)  : i32 {
      %mul3A_633 = arith.constant 64 : i32
      %mul3A_634 = arith.muli %scan3A_628, %mul3A_633 : i32
      %add3A_635 = arith.constant 0 : i32
      %add3A_636 = arith.addi %mul3A_634, %add3A_635 : i32
      %get3A = arith.index_cast %add3A_636 : i32 to index
      %get3A_637 = tpu.vector_load %arg6[%get3A] {strides = array<i32>} : memref<12800xf32, #tpu.memory_space<vmem>>, vector<16xf32>,
      %get3A_638 = vector.shape_cast %get3A_637 : vector<16xf32> to vector<16xf32>
      %add3A_639 = arith.addf %scan3A_629, %get3A_638 : vector<16xf32>
      %mul3A_640 = arith.constant 64 : i32
      %mul3A_641 = arith.muli %scan3A_628, %mul3A_640 : i32
      %add3A_642 = arith.constant 16 : i32
      %add3A_643 = arith.addi %mul3A_641, %add3A_642 : i32
      %get3A_644 = arith.index_cast %add3A_643 : i32 to index
      %get3A_645 = tpu.vector_load %arg6[%get3A_644] {strides = array<i32>} : memref<12800xf32, #tpu.memory_space<vmem>>, vector<16xf32>,
      %get3A_646 = vector.shape_cast %get3A_645 : vector<16xf32> to vector<16xf32>
      %add3A_647 = arith.addf %scan3A_630, %get3A_646 : vector<16xf32>
      %mul3A_648 = arith.constant 64 : i32
      %mul3A_649 = arith.muli %scan3A_628, %mul3A_648 : i32
      %add3A_650 = arith.constant 32 : i32
      %add3A_651 = arith.addi %mul3A_649, %add3A_650 : i32
      %get3A_652 = arith.index_cast %add3A_651 : i32 to index
      %get3A_653 = tpu.vector_load %arg6[%get3A_652] {strides = array<i32>} : memref<12800xf32, #tpu.memory_space<vmem>>, vector<16xf32>,
      %get3A_654 = vector.shape_cast %get3A_653 : vector<16xf32> to vector<16xf32>
      %add3A_655 = arith.addf %scan3A_631, %get3A_654 : vector<16xf32>
      %mul3A_656 = arith.constant 64 : i32
      %mul3A_657 = arith.muli %scan3A_628, %mul3A_656 : i32
      %add3A_658 = arith.constant 48 : i32
      %add3A_659 = arith.addi %mul3A_657, %add3A_658 : i32
      %get3A_660 = arith.index_cast %add3A_659 : i32 to index
      %get3A_661 = tpu.vector_load %arg6[%get3A_660] {strides = array<i32>} : memref<12800xf32, #tpu.memory_space<vmem>>, vector<16xf32>,
      %get3A_662 = vector.shape_cast %get3A_661 : vector<16xf32> to vector<16xf32>
      %add3A_663 = arith.addf %scan3A_632, %get3A_662 : vector<16xf32>
      scf.yield %add3A_639, %add3A_647, %add3A_655, %add3A_663 : vector<16xf32>, vector<16xf32>, vector<16xf32>, vector<16xf32>
    }
    %scan3A_399 = arith.constant 200 : i32
    %mul3A_400 = arith.constant 5.000000e-03 : f32
    %mul3A_401 = vector.broadcast %mul3A_400 : f32 to vector<16xf32>
    %mul3A_402 = arith.mulf %scan3A_398#0, %mul3A_401 : vector<16xf32>
    %neg3A_403 = arith.constant 0.000000e+00 : f32
    %neg3A_404 = vector.broadcast %neg3A_403 : f32 to vector<16xf32>
    %neg3A_405 = arith.subf %neg3A_404, %mul3A_402 : vector<16xf32>
    %exp3A_406 = math.exp %neg3A_405 : vector<16xf32>
    %add3A_407 = arith.constant 1.000000e+00 : f32
    %add3A_408 = vector.broadcast %add3A_407 : f32 to vector<16xf32>
    %add3A_409 = arith.addf %add3A_408, %exp3A_406 : vector<16xf32>
    %div3A_410 = arith.constant 1.000000e+00 : f32
    %div3A_411 = vector.broadcast %div3A_410 : f32 to vector<16xf32>
    %div3A_412 = arith.divf %div3A_411, %add3A_409 : vector<16xf32>
    %swap3A_413 = arith.constant 320 : index
    %swap3A_414 = tpu.vector_load %arg7[%swap3A_413] {strides = array<i32>} : memref<512xf32, #tpu.memory_space<vmem>>, vector<16xf32>,
    %swap3A_415 = vector.shape_cast %swap3A_414 : vector<16xf32> to vector<16xf32>
    %swap3A_416 = vector.shape_cast %div3A_412 : vector<16xf32> to vector<16xf32>
    tpu.vector_store %arg7[%swap3A_413], %swap3A_416 {strides = array<i32>} : memref<512xf32, #tpu.memory_space<vmem>>, vector<16xf32>,
    %mul3A_417 = arith.constant 5.000000e-03 : f32
    %mul3A_418 = vector.broadcast %mul3A_417 : f32 to vector<16xf32>
    %mul3A_419 = arith.mulf %scan3A_398#1, %mul3A_418 : vector<16xf32>
    %neg3A_420 = arith.constant 0.000000e+00 : f32
    %neg3A_421 = vector.broadcast %neg3A_420 : f32 to vector<16xf32>
    %neg3A_422 = arith.subf %neg3A_421, %mul3A_419 : vector<16xf32>
    %exp3A_423 = math.exp %neg3A_422 : vector<16xf32>
    %add3A_424 = arith.constant 1.000000e+00 : f32
    %add3A_425 = vector.broadcast %add3A_424 : f32 to vector<16xf32>
    %add3A_426 = arith.addf %add3A_425, %exp3A_423 : vector<16xf32>
    %div3A_427 = arith.constant 1.000000e+00 : f32
    %div3A_428 = vector.broadcast %div3A_427 : f32 to vector<16xf32>
    %div3A_429 = arith.divf %div3A_428, %add3A_426 : vector<16xf32>
    %swap3A_430 = arith.constant 336 : index
    %swap3A_431 = tpu.vector_load %arg7[%swap3A_430] {strides = array<i32>} : memref<512xf32, #tpu.memory_space<vmem>>, vector<16xf32>,
    %swap3A_432 = vector.shape_cast %swap3A_431 : vector<16xf32> to vector<16xf32>
    %swap3A_433 = vector.shape_cast %div3A_429 : vector<16xf32> to vector<16xf32>
    tpu.vector_store %arg7[%swap3A_430], %swap3A_433 {strides = array<i32>} : memref<512xf32, #tpu.memory_space<vmem>>, vector<16xf32>,
    %mul3A_434 = arith.constant 5.000000e-03 : f32
    %mul3A_435 = vector.broadcast %mul3A_434 : f32 to vector<16xf32>
    %mul3A_436 = arith.mulf %scan3A_398#2, %mul3A_435 : vector<16xf32>
    %neg3A_437 = arith.constant 0.000000e+00 : f32
    %neg3A_438 = vector.broadcast %neg3A_437 : f32 to vector<16xf32>
    %neg3A_439 = arith.subf %neg3A_438, %mul3A_436 : vector<16xf32>
    %exp3A_440 = math.exp %neg3A_439 : vector<16xf32>
    %add3A_441 = arith.constant 1.000000e+00 : f32
    %add3A_442 = vector.broadcast %add3A_441 : f32 to vector<16xf32>
    %add3A_443 = arith.addf %add3A_442, %exp3A_440 : vector<16xf32>
    %div3A_444 = arith.constant 1.000000e+00 : f32
    %div3A_445 = vector.broadcast %div3A_444 : f32 to vector<16xf32>
    %div3A_446 = arith.divf %div3A_445, %add3A_443 : vector<16xf32>
    %swap3A_447 = arith.constant 352 : index
    %swap3A_448 = tpu.vector_load %arg7[%swap3A_447] {strides = array<i32>} : memref<512xf32, #tpu.memory_space<vmem>>, vector<16xf32>,
    %swap3A_449 = vector.shape_cast %swap3A_448 : vector<16xf32> to vector<16xf32>
    %swap3A_450 = vector.shape_cast %div3A_446 : vector<16xf32> to vector<16xf32>
    tpu.vector_store %arg7[%swap3A_447], %swap3A_450 {strides = array<i32>} : memref<512xf32, #tpu.memory_space<vmem>>, vector<16xf32>,
    %mul3A_451 = arith.constant 5.000000e-03 : f32
    %mul3A_452 = vector.broadcast %mul3A_451 : f32 to vector<16xf32>
    %mul3A_453 = arith.mulf %scan3A_398#3, %mul3A_452 : vector<16xf32>
    %neg3A_454 = arith.constant 0.000000e+00 : f32
    %neg3A_455 = vector.broadcast %neg3A_454 : f32 to vector<16xf32>
    %neg3A_456 = arith.subf %neg3A_455, %mul3A_453 : vector<16xf32>
    %exp3A_457 = math.exp %neg3A_456 : vector<16xf32>
    %add3A_458 = arith.constant 1.000000e+00 : f32
    %add3A_459 = vector.broadcast %add3A_458 : f32 to vector<16xf32>
    %add3A_460 = arith.addf %add3A_459, %exp3A_457 : vector<16xf32>
    %div3A_461 = arith.constant 1.000000e+00 : f32
    %div3A_462 = vector.broadcast %div3A_461 : f32 to vector<16xf32>
    %div3A_463 = arith.divf %div3A_462, %add3A_460 : vector<16xf32>
    %swap3A_464 = arith.constant 368 : index
    %swap3A_465 = tpu.vector_load %arg7[%swap3A_464] {strides = array<i32>} : memref<512xf32, #tpu.memory_space<vmem>>, vector<16xf32>,
    %swap3A_466 = vector.shape_cast %swap3A_465 : vector<16xf32> to vector<16xf32>
    %swap3A_467 = vector.shape_cast %div3A_463 : vector<16xf32> to vector<16xf32>
    tpu.vector_store %arg7[%swap3A_464], %swap3A_467 {strides = array<i32>} : memref<512xf32, #tpu.memory_space<vmem>>, vector<16xf32>,
    %run_scoped3A_468 = arith.constant 6 : i32
    "tpu.region"() ({
      %run_scoped3A_628 = tpu.sem_alloc : memref<!tpu.dma_semaphore, #tpu.memory_space<semaphore_mem>>
      %dma_start3A_629 = arith.constant 0 : i32
      %dma_start3A_630 = tpu.memref_slice %arg3[%add3A, %run_scoped3A_468, %dma_start3A_629] : memref<32x8x12800xi32, #tpu.memory_space<hbm>> -> memref<1x1x12800xi32, #tpu.memory_space<hbm>>
      %dma_start3A_631 = tpu.memref_squeeze %dma_start3A_630 : memref<1x1x12800xi32, #tpu.memory_space<hbm>> -> memref<12800xi32, #tpu.memory_space<hbm>>
      %dma_start3A_632 = arith.constant 0 : i32
      %dma_start3A_633 = tpu.memref_slice %arg3[%add3A, %run_scoped3A_468, %dma_start3A_632] : memref<32x8x12800xi32, #tpu.memory_space<hbm>> -> memref<1x1x12800xi32, #tpu.memory_space<hbm>>
      %dma_start3A_634 = tpu.memref_squeeze %dma_start3A_633 : memref<1x1x12800xi32, #tpu.memory_space<hbm>> -> memref<12800xi32, #tpu.memory_space<hbm>>
      tpu.enqueue_dma source(%dma_start3A_634 : memref<12800xi32, #tpu.memory_space<hbm>>) target(%arg5 : memref<12800xi32, #tpu.memory_space<vmem>>) target_semaphore(%run_scoped3A_628 : memref<!tpu.dma_semaphore, #tpu.memory_space<semaphore_mem>>)
      %dma_wait3A_635 = arith.constant 0 : i32
      %dma_wait3A_636 = tpu.memref_slice %arg3[%add3A, %run_scoped3A_468, %dma_wait3A_635] : memref<32x8x12800xi32, #tpu.memory_space<hbm>> -> memref<1x1x12800xi32, #tpu.memory_space<hbm>>
      %dma_wait3A_637 = tpu.memref_squeeze %dma_wait3A_636 : memref<1x1x12800xi32, #tpu.memory_space<hbm>> -> memref<12800xi32, #tpu.memory_space<hbm>>
      %dma_wait3A_638 = arith.constant 0 : i32
      %dma_wait3A_639 = tpu.memref_slice %arg3[%add3A, %run_scoped3A_468, %dma_wait3A_638] : memref<32x8x12800xi32, #tpu.memory_space<hbm>> -> memref<1x1x12800xi32, #tpu.memory_space<hbm>>
      %dma_wait3A_640 = tpu.memref_squeeze %dma_wait3A_639 : memref<1x1x12800xi32, #tpu.memory_space<hbm>> -> memref<12800xi32, #tpu.memory_space<hbm>>
      tpu.wait_dma2 semaphore(%run_scoped3A_628 : memref<!tpu.dma_semaphore, #tpu.memory_space<semaphore_mem>>) src(%dma_wait3A_640 : memref<12800xi32, #tpu.memory_space<hbm>>) dst(%arg5 : memref<12800xi32, #tpu.memory_space<vmem>>)
      tpu.yield
    }) : () -> ()
    %dma_start3A_469 = arith.constant 0 : i32
    %dma_start3A_470 = tpu.memref_slice %arg2[%dma_start3A_469] : memref<1000000xf32, #tpu.memory_space<hbm>> -> memref<1000000xf32, #tpu.memory_space<hbm>>
    tpu.enqueue_indirect_dma source(%dma_start3A_470 : memref<1000000xf32, #tpu.memory_space<hbm>>) target(%arg6 : memref<12800xf32, #tpu.memory_space<vmem>>) offsets(%arg5 : memref<12800xi32, #tpu.memory_space<vmem>>) semaphore(%arg8 : memref<!tpu.dma_semaphore, #tpu.memory_space<semaphore_mem>>)
    %dma_wait3A_471 = arith.constant 0 : i32
    %dma_wait3A_472 = tpu.memref_slice %arg2[%dma_wait3A_471] : memref<1000000xf32, #tpu.memory_space<hbm>> -> memref<1000000xf32, #tpu.memory_space<hbm>>
    tpu.wait_indirect_dma semaphore(%arg8 : memref<!tpu.dma_semaphore, #tpu.memory_space<semaphore_mem>>) src(%dma_wait3A_472 : memref<1000000xf32, #tpu.memory_space<hbm>>) dst(%arg6 : memref<12800xf32, #tpu.memory_space<vmem>>)
    %scan3A_473 = arith.constant 0 : i32
    %scan3A_474 = arith.constant 200 : i32
    %scan3A_475 = arith.addi %scan3A_473, %scan3A_474 : i32
    %scan3A_476 = arith.constant 1 : i32
    %scan3A_477:4 = scf.for %scan3A_628 = %scan3A_473 to %scan3A_475 step %scan3A_476 iter_args(%scan3A_629 = %broadcast_in_dim3A_1, %scan3A_630 = %broadcast_in_dim3A_1, %scan3A_631 = %broadcast_in_dim3A_1, %scan3A_632 = %broadcast_in_dim3A_1) -> (vector<16xf32>, vector<16xf32>, vector<16xf32>, vector<16xf32>)  : i32 {
      %mul3A_633 = arith.constant 64 : i32
      %mul3A_634 = arith.muli %scan3A_628, %mul3A_633 : i32
      %add3A_635 = arith.constant 0 : i32
      %add3A_636 = arith.addi %mul3A_634, %add3A_635 : i32
      %get3A = arith.index_cast %add3A_636 : i32 to index
      %get3A_637 = tpu.vector_load %arg6[%get3A] {strides = array<i32>} : memref<12800xf32, #tpu.memory_space<vmem>>, vector<16xf32>,
      %get3A_638 = vector.shape_cast %get3A_637 : vector<16xf32> to vector<16xf32>
      %add3A_639 = arith.addf %scan3A_629, %get3A_638 : vector<16xf32>
      %mul3A_640 = arith.constant 64 : i32
      %mul3A_641 = arith.muli %scan3A_628, %mul3A_640 : i32
      %add3A_642 = arith.constant 16 : i32
      %add3A_643 = arith.addi %mul3A_641, %add3A_642 : i32
      %get3A_644 = arith.index_cast %add3A_643 : i32 to index
      %get3A_645 = tpu.vector_load %arg6[%get3A_644] {strides = array<i32>} : memref<12800xf32, #tpu.memory_space<vmem>>, vector<16xf32>,
      %get3A_646 = vector.shape_cast %get3A_645 : vector<16xf32> to vector<16xf32>
      %add3A_647 = arith.addf %scan3A_630, %get3A_646 : vector<16xf32>
      %mul3A_648 = arith.constant 64 : i32
      %mul3A_649 = arith.muli %scan3A_628, %mul3A_648 : i32
      %add3A_650 = arith.constant 32 : i32
      %add3A_651 = arith.addi %mul3A_649, %add3A_650 : i32
      %get3A_652 = arith.index_cast %add3A_651 : i32 to index
      %get3A_653 = tpu.vector_load %arg6[%get3A_652] {strides = array<i32>} : memref<12800xf32, #tpu.memory_space<vmem>>, vector<16xf32>,
      %get3A_654 = vector.shape_cast %get3A_653 : vector<16xf32> to vector<16xf32>
      %add3A_655 = arith.addf %scan3A_631, %get3A_654 : vector<16xf32>
      %mul3A_656 = arith.constant 64 : i32
      %mul3A_657 = arith.muli %scan3A_628, %mul3A_656 : i32
      %add3A_658 = arith.constant 48 : i32
      %add3A_659 = arith.addi %mul3A_657, %add3A_658 : i32
      %get3A_660 = arith.index_cast %add3A_659 : i32 to index
      %get3A_661 = tpu.vector_load %arg6[%get3A_660] {strides = array<i32>} : memref<12800xf32, #tpu.memory_space<vmem>>, vector<16xf32>,
      %get3A_662 = vector.shape_cast %get3A_661 : vector<16xf32> to vector<16xf32>
      %add3A_663 = arith.addf %scan3A_632, %get3A_662 : vector<16xf32>
      scf.yield %add3A_639, %add3A_647, %add3A_655, %add3A_663 : vector<16xf32>, vector<16xf32>, vector<16xf32>, vector<16xf32>
    }
    %scan3A_478 = arith.constant 200 : i32
    %mul3A_479 = arith.constant 5.000000e-03 : f32
    %mul3A_480 = vector.broadcast %mul3A_479 : f32 to vector<16xf32>
    %mul3A_481 = arith.mulf %scan3A_477#0, %mul3A_480 : vector<16xf32>
    %neg3A_482 = arith.constant 0.000000e+00 : f32
    %neg3A_483 = vector.broadcast %neg3A_482 : f32 to vector<16xf32>
    %neg3A_484 = arith.subf %neg3A_483, %mul3A_481 : vector<16xf32>
    %exp3A_485 = math.exp %neg3A_484 : vector<16xf32>
    %add3A_486 = arith.constant 1.000000e+00 : f32
    %add3A_487 = vector.broadcast %add3A_486 : f32 to vector<16xf32>
    %add3A_488 = arith.addf %add3A_487, %exp3A_485 : vector<16xf32>
    %div3A_489 = arith.constant 1.000000e+00 : f32
    %div3A_490 = vector.broadcast %div3A_489 : f32 to vector<16xf32>
    %div3A_491 = arith.divf %div3A_490, %add3A_488 : vector<16xf32>
    %swap3A_492 = arith.constant 384 : index
    %swap3A_493 = tpu.vector_load %arg7[%swap3A_492] {strides = array<i32>} : memref<512xf32, #tpu.memory_space<vmem>>, vector<16xf32>,
    %swap3A_494 = vector.shape_cast %swap3A_493 : vector<16xf32> to vector<16xf32>
    %swap3A_495 = vector.shape_cast %div3A_491 : vector<16xf32> to vector<16xf32>
    tpu.vector_store %arg7[%swap3A_492], %swap3A_495 {strides = array<i32>} : memref<512xf32, #tpu.memory_space<vmem>>, vector<16xf32>,
    %mul3A_496 = arith.constant 5.000000e-03 : f32
    %mul3A_497 = vector.broadcast %mul3A_496 : f32 to vector<16xf32>
    %mul3A_498 = arith.mulf %scan3A_477#1, %mul3A_497 : vector<16xf32>
    %neg3A_499 = arith.constant 0.000000e+00 : f32
    %neg3A_500 = vector.broadcast %neg3A_499 : f32 to vector<16xf32>
    %neg3A_501 = arith.subf %neg3A_500, %mul3A_498 : vector<16xf32>
    %exp3A_502 = math.exp %neg3A_501 : vector<16xf32>
    %add3A_503 = arith.constant 1.000000e+00 : f32
    %add3A_504 = vector.broadcast %add3A_503 : f32 to vector<16xf32>
    %add3A_505 = arith.addf %add3A_504, %exp3A_502 : vector<16xf32>
    %div3A_506 = arith.constant 1.000000e+00 : f32
    %div3A_507 = vector.broadcast %div3A_506 : f32 to vector<16xf32>
    %div3A_508 = arith.divf %div3A_507, %add3A_505 : vector<16xf32>
    %swap3A_509 = arith.constant 400 : index
    %swap3A_510 = tpu.vector_load %arg7[%swap3A_509] {strides = array<i32>} : memref<512xf32, #tpu.memory_space<vmem>>, vector<16xf32>,
    %swap3A_511 = vector.shape_cast %swap3A_510 : vector<16xf32> to vector<16xf32>
    %swap3A_512 = vector.shape_cast %div3A_508 : vector<16xf32> to vector<16xf32>
    tpu.vector_store %arg7[%swap3A_509], %swap3A_512 {strides = array<i32>} : memref<512xf32, #tpu.memory_space<vmem>>, vector<16xf32>,
    %mul3A_513 = arith.constant 5.000000e-03 : f32
    %mul3A_514 = vector.broadcast %mul3A_513 : f32 to vector<16xf32>
    %mul3A_515 = arith.mulf %scan3A_477#2, %mul3A_514 : vector<16xf32>
    %neg3A_516 = arith.constant 0.000000e+00 : f32
    %neg3A_517 = vector.broadcast %neg3A_516 : f32 to vector<16xf32>
    %neg3A_518 = arith.subf %neg3A_517, %mul3A_515 : vector<16xf32>
    %exp3A_519 = math.exp %neg3A_518 : vector<16xf32>
    %add3A_520 = arith.constant 1.000000e+00 : f32
    %add3A_521 = vector.broadcast %add3A_520 : f32 to vector<16xf32>
    %add3A_522 = arith.addf %add3A_521, %exp3A_519 : vector<16xf32>
    %div3A_523 = arith.constant 1.000000e+00 : f32
    %div3A_524 = vector.broadcast %div3A_523 : f32 to vector<16xf32>
    %div3A_525 = arith.divf %div3A_524, %add3A_522 : vector<16xf32>
    %swap3A_526 = arith.constant 416 : index
    %swap3A_527 = tpu.vector_load %arg7[%swap3A_526] {strides = array<i32>} : memref<512xf32, #tpu.memory_space<vmem>>, vector<16xf32>,
    %swap3A_528 = vector.shape_cast %swap3A_527 : vector<16xf32> to vector<16xf32>
    %swap3A_529 = vector.shape_cast %div3A_525 : vector<16xf32> to vector<16xf32>
    tpu.vector_store %arg7[%swap3A_526], %swap3A_529 {strides = array<i32>} : memref<512xf32, #tpu.memory_space<vmem>>, vector<16xf32>,
    %mul3A_530 = arith.constant 5.000000e-03 : f32
    %mul3A_531 = vector.broadcast %mul3A_530 : f32 to vector<16xf32>
    %mul3A_532 = arith.mulf %scan3A_477#3, %mul3A_531 : vector<16xf32>
    %neg3A_533 = arith.constant 0.000000e+00 : f32
    %neg3A_534 = vector.broadcast %neg3A_533 : f32 to vector<16xf32>
    %neg3A_535 = arith.subf %neg3A_534, %mul3A_532 : vector<16xf32>
    %exp3A_536 = math.exp %neg3A_535 : vector<16xf32>
    %add3A_537 = arith.constant 1.000000e+00 : f32
    %add3A_538 = vector.broadcast %add3A_537 : f32 to vector<16xf32>
    %add3A_539 = arith.addf %add3A_538, %exp3A_536 : vector<16xf32>
    %div3A_540 = arith.constant 1.000000e+00 : f32
    %div3A_541 = vector.broadcast %div3A_540 : f32 to vector<16xf32>
    %div3A_542 = arith.divf %div3A_541, %add3A_539 : vector<16xf32>
    %swap3A_543 = arith.constant 432 : index
    %swap3A_544 = tpu.vector_load %arg7[%swap3A_543] {strides = array<i32>} : memref<512xf32, #tpu.memory_space<vmem>>, vector<16xf32>,
    %swap3A_545 = vector.shape_cast %swap3A_544 : vector<16xf32> to vector<16xf32>
    %swap3A_546 = vector.shape_cast %div3A_542 : vector<16xf32> to vector<16xf32>
    tpu.vector_store %arg7[%swap3A_543], %swap3A_546 {strides = array<i32>} : memref<512xf32, #tpu.memory_space<vmem>>, vector<16xf32>,
    %run_scoped3A_547 = arith.constant 7 : i32
    "tpu.region"() ({
      %run_scoped3A_628 = tpu.sem_alloc : memref<!tpu.dma_semaphore, #tpu.memory_space<semaphore_mem>>
      %dma_start3A_629 = arith.constant 0 : i32
      %dma_start3A_630 = tpu.memref_slice %arg3[%add3A, %run_scoped3A_547, %dma_start3A_629] : memref<32x8x12800xi32, #tpu.memory_space<hbm>> -> memref<1x1x12800xi32, #tpu.memory_space<hbm>>
      %dma_start3A_631 = tpu.memref_squeeze %dma_start3A_630 : memref<1x1x12800xi32, #tpu.memory_space<hbm>> -> memref<12800xi32, #tpu.memory_space<hbm>>
      %dma_start3A_632 = arith.constant 0 : i32
      %dma_start3A_633 = tpu.memref_slice %arg3[%add3A, %run_scoped3A_547, %dma_start3A_632] : memref<32x8x12800xi32, #tpu.memory_space<hbm>> -> memref<1x1x12800xi32, #tpu.memory_space<hbm>>
      %dma_start3A_634 = tpu.memref_squeeze %dma_start3A_633 : memref<1x1x12800xi32, #tpu.memory_space<hbm>> -> memref<12800xi32, #tpu.memory_space<hbm>>
      tpu.enqueue_dma source(%dma_start3A_634 : memref<12800xi32, #tpu.memory_space<hbm>>) target(%arg5 : memref<12800xi32, #tpu.memory_space<vmem>>) target_semaphore(%run_scoped3A_628 : memref<!tpu.dma_semaphore, #tpu.memory_space<semaphore_mem>>)
      %dma_wait3A_635 = arith.constant 0 : i32
      %dma_wait3A_636 = tpu.memref_slice %arg3[%add3A, %run_scoped3A_547, %dma_wait3A_635] : memref<32x8x12800xi32, #tpu.memory_space<hbm>> -> memref<1x1x12800xi32, #tpu.memory_space<hbm>>
      %dma_wait3A_637 = tpu.memref_squeeze %dma_wait3A_636 : memref<1x1x12800xi32, #tpu.memory_space<hbm>> -> memref<12800xi32, #tpu.memory_space<hbm>>
      %dma_wait3A_638 = arith.constant 0 : i32
      %dma_wait3A_639 = tpu.memref_slice %arg3[%add3A, %run_scoped3A_547, %dma_wait3A_638] : memref<32x8x12800xi32, #tpu.memory_space<hbm>> -> memref<1x1x12800xi32, #tpu.memory_space<hbm>>
      %dma_wait3A_640 = tpu.memref_squeeze %dma_wait3A_639 : memref<1x1x12800xi32, #tpu.memory_space<hbm>> -> memref<12800xi32, #tpu.memory_space<hbm>>
      tpu.wait_dma2 semaphore(%run_scoped3A_628 : memref<!tpu.dma_semaphore, #tpu.memory_space<semaphore_mem>>) src(%dma_wait3A_640 : memref<12800xi32, #tpu.memory_space<hbm>>) dst(%arg5 : memref<12800xi32, #tpu.memory_space<vmem>>)
      tpu.yield
    }) : () -> ()
    %dma_start3A_548 = arith.constant 0 : i32
    %dma_start3A_549 = tpu.memref_slice %arg2[%dma_start3A_548] : memref<1000000xf32, #tpu.memory_space<hbm>> -> memref<1000000xf32, #tpu.memory_space<hbm>>
    tpu.enqueue_indirect_dma source(%dma_start3A_549 : memref<1000000xf32, #tpu.memory_space<hbm>>) target(%arg6 : memref<12800xf32, #tpu.memory_space<vmem>>) offsets(%arg5 : memref<12800xi32, #tpu.memory_space<vmem>>) semaphore(%arg8 : memref<!tpu.dma_semaphore, #tpu.memory_space<semaphore_mem>>)
    %dma_wait3A_550 = arith.constant 0 : i32
    %dma_wait3A_551 = tpu.memref_slice %arg2[%dma_wait3A_550] : memref<1000000xf32, #tpu.memory_space<hbm>> -> memref<1000000xf32, #tpu.memory_space<hbm>>
    tpu.wait_indirect_dma semaphore(%arg8 : memref<!tpu.dma_semaphore, #tpu.memory_space<semaphore_mem>>) src(%dma_wait3A_551 : memref<1000000xf32, #tpu.memory_space<hbm>>) dst(%arg6 : memref<12800xf32, #tpu.memory_space<vmem>>)
    %scan3A_552 = arith.constant 0 : i32
    %scan3A_553 = arith.constant 200 : i32
    %scan3A_554 = arith.addi %scan3A_552, %scan3A_553 : i32
    %scan3A_555 = arith.constant 1 : i32
    %scan3A_556:4 = scf.for %scan3A_628 = %scan3A_552 to %scan3A_554 step %scan3A_555 iter_args(%scan3A_629 = %broadcast_in_dim3A_1, %scan3A_630 = %broadcast_in_dim3A_1, %scan3A_631 = %broadcast_in_dim3A_1, %scan3A_632 = %broadcast_in_dim3A_1) -> (vector<16xf32>, vector<16xf32>, vector<16xf32>, vector<16xf32>)  : i32 {
      %mul3A_633 = arith.constant 64 : i32
      %mul3A_634 = arith.muli %scan3A_628, %mul3A_633 : i32
      %add3A_635 = arith.constant 0 : i32
      %add3A_636 = arith.addi %mul3A_634, %add3A_635 : i32
      %get3A = arith.index_cast %add3A_636 : i32 to index
      %get3A_637 = tpu.vector_load %arg6[%get3A] {strides = array<i32>} : memref<12800xf32, #tpu.memory_space<vmem>>, vector<16xf32>,
      %get3A_638 = vector.shape_cast %get3A_637 : vector<16xf32> to vector<16xf32>
      %add3A_639 = arith.addf %scan3A_629, %get3A_638 : vector<16xf32>
      %mul3A_640 = arith.constant 64 : i32
      %mul3A_641 = arith.muli %scan3A_628, %mul3A_640 : i32
      %add3A_642 = arith.constant 16 : i32
      %add3A_643 = arith.addi %mul3A_641, %add3A_642 : i32
      %get3A_644 = arith.index_cast %add3A_643 : i32 to index
      %get3A_645 = tpu.vector_load %arg6[%get3A_644] {strides = array<i32>} : memref<12800xf32, #tpu.memory_space<vmem>>, vector<16xf32>,
      %get3A_646 = vector.shape_cast %get3A_645 : vector<16xf32> to vector<16xf32>
      %add3A_647 = arith.addf %scan3A_630, %get3A_646 : vector<16xf32>
      %mul3A_648 = arith.constant 64 : i32
      %mul3A_649 = arith.muli %scan3A_628, %mul3A_648 : i32
      %add3A_650 = arith.constant 32 : i32
      %add3A_651 = arith.addi %mul3A_649, %add3A_650 : i32
      %get3A_652 = arith.index_cast %add3A_651 : i32 to index
      %get3A_653 = tpu.vector_load %arg6[%get3A_652] {strides = array<i32>} : memref<12800xf32, #tpu.memory_space<vmem>>, vector<16xf32>,
      %get3A_654 = vector.shape_cast %get3A_653 : vector<16xf32> to vector<16xf32>
      %add3A_655 = arith.addf %scan3A_631, %get3A_654 : vector<16xf32>
      %mul3A_656 = arith.constant 64 : i32
      %mul3A_657 = arith.muli %scan3A_628, %mul3A_656 : i32
      %add3A_658 = arith.constant 48 : i32
      %add3A_659 = arith.addi %mul3A_657, %add3A_658 : i32
      %get3A_660 = arith.index_cast %add3A_659 : i32 to index
      %get3A_661 = tpu.vector_load %arg6[%get3A_660] {strides = array<i32>} : memref<12800xf32, #tpu.memory_space<vmem>>, vector<16xf32>,
      %get3A_662 = vector.shape_cast %get3A_661 : vector<16xf32> to vector<16xf32>
      %add3A_663 = arith.addf %scan3A_632, %get3A_662 : vector<16xf32>
      scf.yield %add3A_639, %add3A_647, %add3A_655, %add3A_663 : vector<16xf32>, vector<16xf32>, vector<16xf32>, vector<16xf32>
    }
    %scan3A_557 = arith.constant 200 : i32
    %mul3A_558 = arith.constant 5.000000e-03 : f32
    %mul3A_559 = vector.broadcast %mul3A_558 : f32 to vector<16xf32>
    %mul3A_560 = arith.mulf %scan3A_556#0, %mul3A_559 : vector<16xf32>
    %neg3A_561 = arith.constant 0.000000e+00 : f32
    %neg3A_562 = vector.broadcast %neg3A_561 : f32 to vector<16xf32>
    %neg3A_563 = arith.subf %neg3A_562, %mul3A_560 : vector<16xf32>
    %exp3A_564 = math.exp %neg3A_563 : vector<16xf32>
    %add3A_565 = arith.constant 1.000000e+00 : f32
    %add3A_566 = vector.broadcast %add3A_565 : f32 to vector<16xf32>
    %add3A_567 = arith.addf %add3A_566, %exp3A_564 : vector<16xf32>
    %div3A_568 = arith.constant 1.000000e+00 : f32
    %div3A_569 = vector.broadcast %div3A_568 : f32 to vector<16xf32>
    %div3A_570 = arith.divf %div3A_569, %add3A_567 : vector<16xf32>
    %swap3A_571 = arith.constant 448 : index
    %swap3A_572 = tpu.vector_load %arg7[%swap3A_571] {strides = array<i32>} : memref<512xf32, #tpu.memory_space<vmem>>, vector<16xf32>,
    %swap3A_573 = vector.shape_cast %swap3A_572 : vector<16xf32> to vector<16xf32>
    %swap3A_574 = vector.shape_cast %div3A_570 : vector<16xf32> to vector<16xf32>
    tpu.vector_store %arg7[%swap3A_571], %swap3A_574 {strides = array<i32>} : memref<512xf32, #tpu.memory_space<vmem>>, vector<16xf32>,
    %mul3A_575 = arith.constant 5.000000e-03 : f32
    %mul3A_576 = vector.broadcast %mul3A_575 : f32 to vector<16xf32>
    %mul3A_577 = arith.mulf %scan3A_556#1, %mul3A_576 : vector<16xf32>
    %neg3A_578 = arith.constant 0.000000e+00 : f32
    %neg3A_579 = vector.broadcast %neg3A_578 : f32 to vector<16xf32>
    %neg3A_580 = arith.subf %neg3A_579, %mul3A_577 : vector<16xf32>
    %exp3A_581 = math.exp %neg3A_580 : vector<16xf32>
    %add3A_582 = arith.constant 1.000000e+00 : f32
    %add3A_583 = vector.broadcast %add3A_582 : f32 to vector<16xf32>
    %add3A_584 = arith.addf %add3A_583, %exp3A_581 : vector<16xf32>
    %div3A_585 = arith.constant 1.000000e+00 : f32
    %div3A_586 = vector.broadcast %div3A_585 : f32 to vector<16xf32>
    %div3A_587 = arith.divf %div3A_586, %add3A_584 : vector<16xf32>
    %swap3A_588 = arith.constant 464 : index
    %swap3A_589 = tpu.vector_load %arg7[%swap3A_588] {strides = array<i32>} : memref<512xf32, #tpu.memory_space<vmem>>, vector<16xf32>,
    %swap3A_590 = vector.shape_cast %swap3A_589 : vector<16xf32> to vector<16xf32>
    %swap3A_591 = vector.shape_cast %div3A_587 : vector<16xf32> to vector<16xf32>
    tpu.vector_store %arg7[%swap3A_588], %swap3A_591 {strides = array<i32>} : memref<512xf32, #tpu.memory_space<vmem>>, vector<16xf32>,
    %mul3A_592 = arith.constant 5.000000e-03 : f32
    %mul3A_593 = vector.broadcast %mul3A_592 : f32 to vector<16xf32>
    %mul3A_594 = arith.mulf %scan3A_556#2, %mul3A_593 : vector<16xf32>
    %neg3A_595 = arith.constant 0.000000e+00 : f32
    %neg3A_596 = vector.broadcast %neg3A_595 : f32 to vector<16xf32>
    %neg3A_597 = arith.subf %neg3A_596, %mul3A_594 : vector<16xf32>
    %exp3A_598 = math.exp %neg3A_597 : vector<16xf32>
    %add3A_599 = arith.constant 1.000000e+00 : f32
    %add3A_600 = vector.broadcast %add3A_599 : f32 to vector<16xf32>
    %add3A_601 = arith.addf %add3A_600, %exp3A_598 : vector<16xf32>
    %div3A_602 = arith.constant 1.000000e+00 : f32
    %div3A_603 = vector.broadcast %div3A_602 : f32 to vector<16xf32>
    %div3A_604 = arith.divf %div3A_603, %add3A_601 : vector<16xf32>
    %swap3A_605 = arith.constant 480 : index
    %swap3A_606 = tpu.vector_load %arg7[%swap3A_605] {strides = array<i32>} : memref<512xf32, #tpu.memory_space<vmem>>, vector<16xf32>,
    %swap3A_607 = vector.shape_cast %swap3A_606 : vector<16xf32> to vector<16xf32>
    %swap3A_608 = vector.shape_cast %div3A_604 : vector<16xf32> to vector<16xf32>
    tpu.vector_store %arg7[%swap3A_605], %swap3A_608 {strides = array<i32>} : memref<512xf32, #tpu.memory_space<vmem>>, vector<16xf32>,
    %mul3A_609 = arith.constant 5.000000e-03 : f32
    %mul3A_610 = vector.broadcast %mul3A_609 : f32 to vector<16xf32>
    %mul3A_611 = arith.mulf %scan3A_556#3, %mul3A_610 : vector<16xf32>
    %neg3A_612 = arith.constant 0.000000e+00 : f32
    %neg3A_613 = vector.broadcast %neg3A_612 : f32 to vector<16xf32>
    %neg3A_614 = arith.subf %neg3A_613, %mul3A_611 : vector<16xf32>
    %exp3A_615 = math.exp %neg3A_614 : vector<16xf32>
    %add3A_616 = arith.constant 1.000000e+00 : f32
    %add3A_617 = vector.broadcast %add3A_616 : f32 to vector<16xf32>
    %add3A_618 = arith.addf %add3A_617, %exp3A_615 : vector<16xf32>
    %div3A_619 = arith.constant 1.000000e+00 : f32
    %div3A_620 = vector.broadcast %div3A_619 : f32 to vector<16xf32>
    %div3A_621 = arith.divf %div3A_620, %add3A_618 : vector<16xf32>
    %swap3A_622 = arith.constant 496 : index
    %swap3A_623 = tpu.vector_load %arg7[%swap3A_622] {strides = array<i32>} : memref<512xf32, #tpu.memory_space<vmem>>, vector<16xf32>,
    %swap3A_624 = vector.shape_cast %swap3A_623 : vector<16xf32> to vector<16xf32>
    %swap3A_625 = vector.shape_cast %div3A_621 : vector<16xf32> to vector<16xf32>
    tpu.vector_store %arg7[%swap3A_622], %swap3A_625 {strides = array<i32>} : memref<512xf32, #tpu.memory_space<vmem>>, vector<16xf32>,
    %mul3A_626 = arith.constant 512 : i32
    %mul3A_627 = arith.muli %add3A, %mul3A_626 : i32
    "tpu.region"() ({
      %run_scoped3A_628 = tpu.sem_alloc : memref<!tpu.dma_semaphore, #tpu.memory_space<semaphore_mem>>
      %dma_start3A_629 = tpu.memref_slice %arg4[%mul3A_627] : memref<16384xf32, #tpu.memory_space<hbm>> -> memref<512xf32, #tpu.memory_space<hbm>>
      %dma_start3A_630 = tpu.memref_slice %arg4[%mul3A_627] : memref<16384xf32, #tpu.memory_space<hbm>> -> memref<512xf32, #tpu.memory_space<hbm>>
      tpu.enqueue_dma source(%arg7 : memref<512xf32, #tpu.memory_space<vmem>>) target(%dma_start3A_630 : memref<512xf32, #tpu.memory_space<hbm>>) target_semaphore(%run_scoped3A_628 : memref<!tpu.dma_semaphore, #tpu.memory_space<semaphore_mem>>)
      %dma_wait3A_631 = tpu.memref_slice %arg4[%mul3A_627] : memref<16384xf32, #tpu.memory_space<hbm>> -> memref<512xf32, #tpu.memory_space<hbm>>
      %dma_wait3A_632 = tpu.memref_slice %arg4[%mul3A_627] : memref<16384xf32, #tpu.memory_space<hbm>> -> memref<512xf32, #tpu.memory_space<hbm>>
      tpu.wait_dma2 semaphore(%run_scoped3A_628 : memref<!tpu.dma_semaphore, #tpu.memory_space<semaphore_mem>>) src(%arg7 : memref<512xf32, #tpu.memory_space<vmem>>) dst(%dma_wait3A_632 : memref<512xf32, #tpu.memory_space<hbm>>)
      tpu.yield
    }) : () -> ()
    return
  }
}

module attributes {stable_mosaic.version = 14 : i64} {
  func.func @_scores_body(%arg0: i32, %arg1: memref<10000x128xbf16, #tpu.memory_space<vmem>>, %arg2: memref<128x4xbf16, #tpu.memory_space<vmem>>, %arg3: memref<1x1xf32, #tpu.memory_space<vmem>>, %arg4: memref<1x4x10000xf32, #tpu.memory_space<vmem>>) attributes {dimension_semantics = [#tpu.dimension_semantics<arbitrary>], iteration_bounds = array<i64: 25>, scalar_prefetch = 0 : i64, scratch_operands = 0 : i64, tpu.core_type = #tpu.core_type<tc>, window_params = [{transform_indices = @transform_0, window_bounds = array<i64: 10000, 128>}, {pipeline_mode = #tpu.pipeline_mode<synchronous>, transform_indices = @transform_1, window_bounds = array<i64: 128, 4>}, {pipeline_mode = #tpu.pipeline_mode<synchronous>, transform_indices = @transform_2, window_bounds = array<i64: 1, 1>}, {transform_indices = @transform_3, window_bounds = array<i64: 1, 4, 10000>}]} {
    %get3A = arith.constant 0 : index
    %get3A_0 = arith.constant 0 : index
    %get3A_1 = vector.load %arg1[%get3A, %get3A_0] : memref<10000x128xbf16, #tpu.memory_space<vmem>>, vector<10000x128xbf16>
    %get3A_2 = arith.constant 0 : index
    %get3A_3 = arith.constant 0 : index
    %get3A_4 = vector.load %arg2[%get3A_2, %get3A_3] : memref<128x4xbf16, #tpu.memory_space<vmem>>, vector<128x4xbf16>
    %get3A_5 = arith.constant 0 : index
    %get3A_6 = arith.constant 0 : index
    %get3A_7 = vector.load %arg3[%get3A_5, %get3A_6] : memref<1x1xf32, #tpu.memory_space<vmem>>, vector<1x1xf32>
    %get3A_8 = vector.extract %get3A_7[0, 0] : f32 from vector<1x1xf32>
    %dot_general3A = arith.constant dense<0.000000e+00> : vector<4x10000xf32>
    %dot_general3A_9 = tpu.matmul %get3A_4, %get3A_1, %dot_general3A {dimension_numbers = #tpu.dot_dimension_numbers<[0], [1], [1], [0], [0, 1, 1, 0], [], []>, transpose_lhs_hint = false} : vector<128x4xbf16>, vector<10000x128xbf16>, vector<4x10000xf32> -> vector<4x10000xf32>
    %add3A = vector.broadcast %get3A_8 : f32 to vector<4x10000xf32>
    %add3A_10 = arith.addf %dot_general3A_9, %add3A : vector<4x10000xf32>
    %eq3A = arith.constant 0 : i32
    %eq3A_11 = arith.cmpi eq, %arg0, %eq3A : i32
    %convert_element_type3A = arith.extui %eq3A_11 : i1 to i32
    %cond3A = arith.constant 0 : i32
    %cond3A_12 = arith.cmpi ne, %convert_element_type3A, %cond3A : i32
    scf.if %cond3A_12 {
      %iota3A = tpu.iota {dimensions = array<i32: 0>} : vector<4x10000xi32>
      %iota3A_17 = tpu.iota {dimensions = array<i32: 1>} : vector<4x10000xi32>
      %eq3A_18 = arith.constant 0 : i32
      %eq3A_19 = vector.broadcast %eq3A_18 : i32 to vector<4x10000xi32>
      %eq3A_20 = arith.cmpi eq, %iota3A, %eq3A_19 : vector<4x10000xi32>
      %eq3A_21 = arith.constant 0 : i32
      %eq3A_22 = vector.broadcast %eq3A_21 : i32 to vector<4x10000xi32>
      %eq3A_23 = arith.cmpi eq, %iota3A_17, %eq3A_22 : vector<4x10000xi32>
      %and3A = arith.andi %eq3A_20, %eq3A_23 : vector<4x10000xi1>
      %broadcast_in_dim3A = vector.broadcast %get3A_8 : f32 to vector<4x10000xf32>
      %select_n3A = arith.select %and3A, %broadcast_in_dim3A, %add3A_10 : vector<4x10000xi1>, vector<4x10000xf32>
      %broadcast_in_dim3A_24 = vector.shape_cast %select_n3A : vector<4x10000xf32> to vector<1x4x10000xf32>
      %swap3A = arith.constant 0 : index
      %swap3A_25 = arith.constant 0 : index
      %swap3A_26 = arith.constant 0 : index
      %swap3A_27 = vector.load %arg4[%swap3A, %swap3A_25, %swap3A_26] : memref<1x4x10000xf32, #tpu.memory_space<vmem>>, vector<1x4x10000xf32>
      tpu.vector_store %arg4[%swap3A, %swap3A_25, %swap3A_26], %broadcast_in_dim3A_24 {strides = array<i32>} : memref<1x4x10000xf32, #tpu.memory_space<vmem>>, vector<1x4x10000xf32>,
    } else {
    }
    %ne3A = arith.constant 0 : i32
    %ne3A_13 = arith.cmpi ne, %arg0, %ne3A : i32
    %convert_element_type3A_14 = arith.extui %ne3A_13 : i1 to i32
    %cond3A_15 = arith.constant 0 : i32
    %cond3A_16 = arith.cmpi ne, %convert_element_type3A_14, %cond3A_15 : i32
    scf.if %cond3A_16 {
      %broadcast_in_dim3A = vector.shape_cast %add3A_10 : vector<4x10000xf32> to vector<1x4x10000xf32>
      %swap3A = arith.constant 0 : index
      %swap3A_17 = arith.constant 0 : index
      %swap3A_18 = arith.constant 0 : index
      %swap3A_19 = vector.load %arg4[%swap3A, %swap3A_17, %swap3A_18] : memref<1x4x10000xf32, #tpu.memory_space<vmem>>, vector<1x4x10000xf32>
      tpu.vector_store %arg4[%swap3A, %swap3A_17, %swap3A_18], %broadcast_in_dim3A {strides = array<i32>} : memref<1x4x10000xf32, #tpu.memory_space<vmem>>, vector<1x4x10000xf32>,
    } else {
    }
    return
  }
  func.func @transform_0(%arg0: i32) -> (i32, i32) {
    %c0_i32 = arith.constant 0 : i32
    %c0_i32_0 = arith.constant 0 : i32
    return %arg0, %c0_i32 : i32, i32
  }
  func.func @transform_1(%arg0: i32) -> (i32, i32) {
    %c0_i32 = arith.constant 0 : i32
    %c0_i32_0 = arith.constant 0 : i32
    %c0_i32_1 = arith.constant 0 : i32
    return %c0_i32, %c0_i32_0 : i32, i32
  }
  func.func @transform_2(%arg0: i32) -> (i32, i32) {
    %c0_i32 = arith.constant 0 : i32
    %c0_i32_0 = arith.constant 0 : i32
    %c0_i32_1 = arith.constant 0 : i32
    return %c0_i32, %c0_i32_0 : i32, i32
  }
  func.func @transform_3(%arg0: i32) -> (i32, i32, i32) {
    %c0_i32 = arith.constant 0 : i32
    %c0_i32_0 = arith.constant 0 : i32
    %c0_i32_1 = arith.constant 0 : i32
    return %arg0, %c0_i32, %c0_i32_0 : i32, i32, i32
  }
}

</mosaic_0001>

<sc_bundles>
// kernel: kernel.4.cloned.1.call-start
scs
__scs_entry_jumppad:
0x0: {  	(pc) =	sbr.rel $0x88, $3  }
0x1: {  	(tag) =	ssettag $0x0;
	lr =	simm.s32 $0x1  }
0x2: {  	[smem:$0x3F9D] =	sst lr;
	_ =	strace $0xD0000000  }
0x3: {  	_ = 	snop  }
0x4: {  	_ = 	snop  }
0x5: {  	_ = 	snop  }
0x6: {  	_ = 	snop  }
0x7: {  	_ = 	snop  }
__scs_overlays_trampoline_lowered:
0x8: {  	[smem:$0x3FAC] =	sst s0  }
0x9: {  	[smem:$0x3FAD] =	sst s1  }
0xa: {  	[smem:$0x3FAE] =	sst s2  }
0xb: {  	[smem:$0x3FAF] =	sst s3  }
0xc: {  	[smem:$0x3FB0] =	sst s4  }
0xd: {  	[smem:$0x3FB1] =	sst s5  }
0xe: {  	[smem:$0x3FB2] =	sst s6  }
0xf: {  	[smem:$0x3FB3] =	sst s7  }
0x10: {  	[smem:$0x3FB4] =	sst s8  }
0x11: {  	[smem:$0x3FB5] =	sst s9;
	s0 =	simm.s32 @!p0 $0x0  }
0x12: {  	s1 =	sld [smem:$0x3F9B];
	s0 =	simm.s32 @p0 $0x1  }
0x13: {  	[smem:$0x3FB6] =	sst s0;
	s0 =	simm.s32 @!p1 $0x0  }
0x14: {  	s2 =	sld [smem:$0x3F9A];
	s0 =	simm.s32 @p1 $0x1  }
0x15: {  	[smem:$0x3FB7] =	sst s0;
	s0 =	simm.s32 @!p2 $0x0  }
0x16: {  	s3 =	sld [smem:$0x3FDB];
	s0 =	simm.s32 @p2 $0x1  }
0x17: {  	s4 =	simm.s32 $0x1BF5;
	[smem:$0x3FB9] =	sst s0  }
0x18: {  	s0 =	sld [smem:$0x3F9C];
	_ =	swait.ge [sflag:s4], $0x0  }
0x19: {  	s7 =	sld [smem:$0x3F9D]  }
0x1a: {  	s8 =	sadd.s32 $0xFFFFE003, lr  }
0x1b: {  	s9 =	sadd.s32 $0xFFFFFEF7, lr;
	s5 =	simm.s32 $0xFFFFFFFF;
	p2 =	slt.u32 s8, $0xFFFFF086  }
0x1c: {  	p1 =	slt.u32 s9, $0xF7A;
	s5 =	simm.s32 @!p2 $0x0  }
0x1d: {  	s5 =	simm.s32 @p1 $0x1;
	p0 =	seq.s32 s7, s2  }
0x1e: {  	s7 =	smul.u32 @!p0 $0xF7A, s2;
	p2 =	seq.s32 @!p0 s5, $0x0  }
0x1f: {  	s9 =	smul.u32 $0xF7A, s1;
	s8 =	simm.s32 @!p0 $0x1BF5;
	p2 =	por !p2, p0  }
0x20: {  	[sflag:s8] =	ssyncset.s32 @!p0 $0xFFFFF086;
	s6 =	sadd.s32 @!p0 s3, s7;
	s7 =	simm.s32 @!p0 $0x108  }
0x21: {  	s3 =	sadd.s32 s3, s9;
	s6 =	sadd.s32 @!p0 $0x88, s6;
	s7 =	simm.s32 @p2 $0x1082  }
0x22: {  	[simem:s7], [sflag:s8] =	dma.local @!p0 [hbm:s6], $0xF7A  }
0x23: {  	s9 =	sor.u32 $0xD0000000, s2;
	s6 =	simm.s32 $0x108;
	_ =	swait.ge @!p0 [sflag:s8], $0x0  }
0x24: {  	s3 =	sadd.s32 $0x88, s3;
	s6 =	simm.s32 @!p1 $0x1082;
	[sflag:s4] =	ssyncset.s32 $0xFFFFF086  }
0x25: {  	[simem:s6], [sflag:s4] =	dma.local [hbm:s3], $0xF7A  }
0x26: {  	[smem:$0x3F9D] =	sst s1;
	(tag) =	ssettag s2;
	_ =	strace s9  }
0x27: {  	s1 =	sld [smem:$0x3FAD]  }
0x28: {  	s2 =	sld [smem:$0x3FAE]  }
0x29: {  	s4 =	sld [smem:$0x3FB0]  }
0x2a: {  	p0 =	seq.s32 s5, $0x0;
	s5 =	sld [smem:$0x3FB1]  }
0x2b: {  	s6 =	sld [smem:$0x3FB2]  }
0x2c: {  	s7 =	sld [smem:$0x3FB3]  }
0x2d: {  	s3 =	simm.s32 $0x108;
	s8 =	sld [smem:$0x3FB4]  }
0x2e: {  	s3 =	simm.s32 @!p0 $0x1082;
	s9 =	sld [smem:$0x3FB5]  }
0x2f: {  	lr =	sadd.s32 s0, s3;
	s0 =	sld [smem:$0x3FAC]  }
0x30: {  	s3 =	sld [smem:$0x3FAF]  }
0x31: {  	[smem:$0x3FB8] =	sst s10  }
0x32: {  	s10 =	sld [smem:$0x3FB6];
	_ =	sdelay $0x3  }
0x33: {  	p0 =	seq.s32 s10, $0x1;
	s10 =	sld [smem:$0x3FB8];
	_ =	sdelay $0x3  }
0x34: {  	[smem:$0x3FB8] =	sst s10  }
0x35: {  	s10 =	sld [smem:$0x3FB7];
	_ =	sdelay $0x3  }
0x36: {  	p1 =	seq.s32 s10, $0x1;
	s10 =	sld [smem:$0x3FB8];
	_ =	sdelay $0x3  }
0x37: {  	[smem:$0x3FB8] =	sst s10  }
0x38: {  	s10 =	sld [smem:$0x3FB9]  }
0x39: {  	_ = 	snop;
	(pc) =	sbr.ind lr, $3  }
0x3a: {  	_ = 	snop  }
0x3b: {  	_ = 	snop  }
0x3c: {  	p2 =	seq.s32 s10, $0x1;
	s10 =	sld [smem:$0x3FB8]  }
0x3d: {  	_ =	shalt  }
0x3e: {  	_ =	shalt  }
0x3f: {  	_ =	shalt  }
0x40: {  	_ =	shalt  }
0x41: {  	_ =	shalt  }
0x42: {  	_ =	shalt  }
0x43: {  	_ =	shalt  }
0x44: {  	_ =	shalt  }
0x45: {  	_ =	shalt  }
0x46: {  	_ =	shalt  }
0x47: {  	_ =	shalt  }
0x48: {  	_ =	shalt  }
0x49: {  	_ =	shalt  }
0x4a: {  	_ =	shalt  }
0x4b: {  	_ =	shalt  }
0x4c: {  	_ =	shalt  }
0x4d: {  	_ =	shalt  }
0x4e: {  	_ =	shalt  }
0x4f: {  	_ =	shalt  }
0x50: {  	_ =	shalt  }
0x51: {  	_ =	shalt  }
0x52: {  	_ =	shalt  }
0x53: {  	_ =	shalt  }
0x54: {  	_ =	shalt  }
0x55: {  	_ =	shalt  }
0x56: {  	_ =	shalt  }
0x57: {  	_ =	shalt  }
0x58: {  	_ =	shalt  }
0x59: {  	_ =	shalt  }
0x5a: {  	_ =	shalt  }
0x5b: {  	_ =	shalt  }
0x5c: {  	_ =	shalt  }
0x5d: {  	_ =	shalt  }
0x5e: {  	_ =	shalt  }
0x5f: {  	_ =	shalt  }
0x60: {  	_ =	shalt  }
0x61: {  	_ =	shalt  }
0x62: {  	_ =	shalt  }
0x63: {  	_ =	shalt  }
0x64: {  	_ =	shalt  }
0x65: {  	_ =	shalt  }
0x66: {  	_ =	shalt  }
0x67: {  	_ =	shalt  }
0x68: {  	_ =	shalt  }
0x69: {  	_ =	shalt  }
0x6a: {  	_ =	shalt  }
0x6b: {  	_ =	shalt  }
0x6c: {  	_ =	shalt  }
0x6d: {  	_ =	shalt  }
0x6e: {  	_ =	shalt  }
0x6f: {  	_ =	shalt  }
0x70: {  	_ =	shalt  }
0x71: {  	_ =	shalt  }
0x72: {  	_ =	shalt  }
0x73: {  	_ =	shalt  }
0x74: {  	_ =	shalt  }
0x75: {  	_ =	shalt  }
0x76: {  	_ =	shalt  }
0x77: {  	_ =	shalt  }
0x78: {  	_ =	shalt  }
0x79: {  	_ =	shalt  }
0x7a: {  	_ =	shalt  }
0x7b: {  	_ =	shalt  }
0x7c: {  	_ =	shalt  }
0x7d: {  	_ =	shalt  }
0x7e: {  	_ =	shalt  }
0x7f: {  	_ =	shalt  }
0x80: {  	_ =	shalt  }
0x81: {  	_ =	shalt  }
0x82: {  	_ =	shalt  }
0x83: {  	_ =	shalt  }
0x84: {  	_ =	shalt  }
0x85: {  	_ =	shalt  }
0x86: {  	_ =	shalt  }
0x87: {  	_ =	shalt  }
.Lfunc_end0:
.L_simem_size_0:
called_computation.1_lowered:
.L_overlay_start_0:
0x88: {  	s2 =	sld [smem:$0x3FD9]  }
0x89: {  	s3 =	sld [smem:$0x3FFE];
	_ =	sdelay $0x1  }
0x8a: {  	s1 =	srdreg.scid  }
0x8b: {  	s0 =	sand.u32 $0x1, s1  }
0x8c: {  	s17 =	sshll.u32 s0, $0xA;
	s2 =	sadd.s32 s3, s2  }
0x8d: {  	s2 =	sadd.s32 s2, s17  }
0x8e: {  	[smem:$0x3FC4] =	sst s2  }
0x8f: {  	_ = 	snop  }
0x90: {  	s2 =	sld [smem:$0x3FD0];
	(tm) =	ssettm $0x1  }
0x91: {  	s18 =	sld [smem:$0x3FFB];
	_ =	sdelay $0x3  }
0x92: {  	_ =	strace s18  }
0x93: {  	s3 =	sld [smem:$0x3FFC];
	_ =	sdelay $0x3  }
0x94: {  	_ =	strace s3  }
0x95: {  	s3 =	sld [smem:$0x3FFD];
	_ =	sdelay $0x3  }
0x96: {  	_ =	strace s3  }
0x97: {  	_ =	strace $0x8FFFFFFF  }
0x98: {  	s19 =	sld [smem:$0x3FDB];
	_ =	sdelay $0x1  }
0x99: {  	s4 =	simm.s32 $_scs_section_size  }
0x9a: {  	s5 =	simm.s32 $_size__tile_overlayer_lowered;
	s6 =	simm.s32 $_tile_overlayer_lowered  }
0x9b: {  	s22 =	simm.s32 $0x1BFF;
	s21 =	sshll.u32 s6, $0x1;
	s3 =	sadd.s32 s4, s19  }
0x9c: {  	s7 =	simm.s32 $0x0;
	s20 =	sshll.u32 s5, $0x1;
	s5 =	sadd.s32 s21, s3  }
0x9d: {  	[timem:s7], [sflag:s22] =	dma.local [hbm:s5], s20  }
0x9e: {  	_ =	swait.ge [sflag:s22], s20  }
0x9f: {  	s4 =	ssub.s32 $0x0, s20;
	[sflag:s22] =	ssyncset.done $0x0  }
0xa0: {  	[sflag:s22] =	ssyncadd.s32 s4;
	_ =	sdelay $0x1  }
0xa1: {  	s23 =	simm.s32 $0x1B8B  }
0xa2: {  	_ =	swait.ge [sflag:s23], $0x1  }
0xa3: {  	[sflag:s23] =	ssyncset.done $0x0  }
0xa4: {  	s25 =	simm.s32 $0x1B8E;
	s24 =	sld [smem:$0x3FFE];
	[sflag:s23] =	ssyncadd.s32 $0xFFFFFFFF  }
0xa5: {  	s26 =	simm.s32 $execute0_lowered;
	[smem:$0x3FD2] =	sst s25  }
0xa6: {  	s5 =	sshll.u32 s26, $0x1;
	_ =	strace $0x80000049;
	[dreg:$0x1] =	wrdreg $0xFFFFFFFF  }
0xa7: {  	s28 =	simm.s32 $_size_execute0_lowered;
	s3 =	sadd.s32 s3, s5;
	[dreg:$0x0] =	wrdreg $0x0  }
0xa8: {  	s5 =	sshll.u32 s28, $0x1;
	[dreg:$0x2] =	wrdreg s3  }
0xa9: {  	[dreg:$0x3] =	wrdreg s5  }
0xaa: {  	[dreg:$0x4] =	wrdreg $0xC0  }
0xab: {  	_ =	task [dreg:s7], $0x5FFFF  }
0xac: {  	[dreg:$0x1] =	wrdreg $0xFFFFFFFF  }
0xad: {  	[dreg:$0x0] =	wrdreg $0x60  }
0xae: {  	[dreg:$0x2] =	wrdreg s24  }
0xaf: {  	[dreg:$0x3] =	wrdreg s2  }
0xb0: {  	[dreg:$0x4] =	wrdreg $0x9  }
0xb1: {  	_ =	task.clear_ibuf [dreg:s7], $0x5FFFF;
	_ =	strace $0x90000049  }
0xb2: {  	s29 =	simm.s32 $0x9;
	_ =	strace $0x8000004B  }
0xb3: {  	_ =	swait.ge [sflag:s29], $0x1  }
0xb4: {  	[sflag:s29] =	ssyncadd.s32 $0xFFFFFFFF  }
0xb5: {  	_ =	strace $0x9000004B  }
0xb6: {  	_ =	sfence  }
0xb7: {  	s30 =	sld [smem:$0x0];
	_ =	sdelay $0x2  }
0xb8: {  	s31 =	sshll.u32 s1, $0xD;
	s1 =	sshrl.u32 s1, $0x2  }
0xb9: {  	s3 =	sand.u32 $0x4000, s31;
	s1 =	sadd.s32 s1, s30  }
0xba: {  	s0 =	sor.u32 s3, s0;
	s1 =	sshll.u32 s1, $0x11  }
0xbb: {  	s0 =	sor.u32 s1, s0  }
0xbc: {  	s0 =	sadd.s32 $0x8F2B, s0  }
0xbd: {  	[sflag:s0] =	ssyncadd.remote.s32 $0x1  }
0xbe: {  	_ =	sfence.sel $0xFFFF  }
0xbf: {  	[dreg:$0x0] =	wrdreg $0xFFFFFFFF;
	(pc) =	sbr.abs _section_cstart, $3  }
0xc0: {  	[dreg:$0x1] =	wrdreg $0xFFFFFFFF  }
0xc1: {  	_ =	task.clear_ibuf [dreg:s7], $0x2FFFF;
	_ =	strace $0x9FFFFFFF  }
0xc2: {  	(tm) =	ssettm $0x7FFFFFFF  }
0xc3: {  	_ =	shalt  }
tec
execute0_lowered:
.L_overlay_start_1:
0x0: {  	(tag) =	ssettag $0x1  }
0x1: {  	s1 =	srdreg.scid;
	s4 =	rddreg [dreg:$0x0]  }
0x2: {  	s0 =	stileid.u32;
	s12 =	rddreg [dreg:$0x1];
	s2 =	simm.s32 $0x0  }
0x3: {  	s15 =	simm.s32 $0x400;
	s16 =	simm.s32 $0x2;
	s17 =	simm.s32 $0x3200  }
0x4: {  	s18 =	simm.s32 $0x1;
	s5 =	sand.u32 $0x1, s1;
	s31 =	sshll.u32 s0, $0x1  }
0x5: {  	s19 =	simm.s32 $0x6400;
	s1 =	rddreg [dreg:$0x2];
	s13 =	sor.u32 s5, s31  }
0x6: {  	s20 =	simm.s32 $0x0;
	[smem:$0x7FF] =	sst s2;
	s6 =	smul.u32 $0x3200, s13  }
0x7: {  	s3 =	sadd.s32 $0x1000, s4;
	_ =	strace $0x8000004A;
	s8 =	ssub.s32 $0x2, s5  }
0x8: {  	s9 =	sshrl.u32 s8, $0x1;
	s13 =	sshll.u32 s13, $0x6;
	s11 =	sadd.s32 s6, s4  }
0x9: {  	s14 =	ssub.s32 s8, s9;
	s4 =	sadd.s32 $0x98A800, s11;
	s5 =	sadd.s32 $0x98A810, s11  }
0xa: {  	s12 =	sadd.s32 s12, s13;
	s6 =	sadd.s32 $0x98A820, s11;
	s7 =	sadd.s32 $0x98A830, s11  }
0xb: {  	s13 =	smax.u32 s14, $0x1;
	s8 =	sadd.s32 $0x98A840, s11;
	s9 =	sadd.s32 $0x98A850, s11  }
0xc: {  	s14 =	simm.s32 $0x80;
	s10 =	sadd.s32 $0x98A860, s11;
	s11 =	sadd.s32 $0x98A870, s11  }
.LBB2_1:
0xd: {  	[tilespmem:s2], [sflag:$0x2] =	stream.strided.gather [hbm4b:s4+s14], $0x3200, s15, s14, $0x38;
	[tilespmem:$0x6600] =	vst v63  }
0xe: {  	_ =	swait.ge [sflag:s16], $0x3200  }
0xf: {  	[sflag:s16] =	ssyncset.done $0x0  }
0x10: {  	[sflag:s16] =	ssyncadd.s32 $0xFFFFCE00  }
0x11: {  	[tilespmem:s17], [sflag:$0x1] =	stream.indirect.gather [hbm4b:s3+s17], $0x1, s2, s17, $0xb8;
	[tilespmem:$0x6600] =	vst v63  }
0x12: {  	_ =	swait.ge [sflag:s18], $0x3200  }
0x13: {  	[sflag:s18] =	ssyncset.done $0x0  }
0x14: {  	s22 =	simm.s32 $0x0;
	[sflag:s18] =	ssyncadd.s32 $0xFFFFCE00  }
0x15: {  	v1 =	vld [tilespmem:s22+$0x3230]  }
0x16: {  	v6 =	vld [tilespmem:s22+$0x3200]  }
0x17: {  	v0 =	vimm.f32 $0.0e+00;
	v4 =	vld [tilespmem:s22+$0x3210]  }
0x18: {  	s21 =	simm.s32 $0x100;
	v7 =	vimm.f32 $0.0e+00;
	v5 =	vimm.f32 $0.0e+00;
	v3 =	vimm.f32 $0.0e+00;
	v2 =	vld [tilespmem:s22+$0x3220]  }
.LBB2_2:
0x19: {  	p0 =	sne.s32 s21, $0xC700  }
.Ltmp0:
0x1a: {  	s22 =	sshra.s32 s21, $0x2;
	s21 =	sadd.s32 $0x100, s21;
	v0 =	vadd.f32 v1, v0;
	(pc) =	sbr.rel @p0 .LBB2_2-.Ltmp0, $4  }
0x1b: {  	v1 =	vld [tilespmem:s22+$0x3230];
	v7 =	vadd.f32 v6, v7  }
0x1c: {  	v6 =	vld [tilespmem:s22+$0x3200];
	v5 =	vadd.f32 v4, v5  }
0x1d: {  	v4 =	vld [tilespmem:s22+$0x3210];
	v3 =	vadd.f32 v2, v3  }
0x1e: {  	v2 =	vld [tilespmem:s22+$0x3220]  }
0x1f: {  	_ =	sdelay $0x1  }
0x20: {  	v6 =	vadd.f32 v6, v7;
	_ =	sdelay $0x1  }
0x21: {  	v6 =	vmul.f32 $4.999999890e-03, v6;
	_ =	sdelay $0x1  }
0x22: {  	v6 =	vsub.f32 $0.0e+00, v6;
	_ =	sdelay $0x1  }
0x23: {  	v6 =	vmul.f32 $1.442695020e+00, v6;
	_ =	sdelay $0x1  }
0x24: {  	(erf) = vpow2.f32 v6;
	_ =	sdelay $0x4  }
0x25: {  	v4 =	vadd.f32 v4, v5;
	_ =	sdelay $0x1  }
0x26: {  	v4 =	vmul.f32 $4.999999890e-03, v4;
	_ =	sdelay $0x1  }
0x27: {  	v4 =	vsub.f32 $0.0e+00, v4;
	v5 =	vpop (erf)  }
0x28: {  	v5 =	vadd.f32 $1.000000000e+00, v5  }
0x29: {  	v4 =	vmul.f32 $1.442695020e+00, v4  }
0x2a: {  	(erf) = vrcp.f32 v5  }
0x2b: {  	(erf) = vpow2.f32 v4;
	_ =	sdelay $0x4  }
0x2c: {  	v2 =	vadd.f32 v2, v3;
	_ =	sdelay $0x1  }
0x2d: {  	v2 =	vmul.f32 $4.999999890e-03, v2  }
0x2e: {  	v3 =	vpop (erf)  }
0x2f: {  	v2 =	vsub.f32 $0.0e+00, v2;
	v4 =	vpop (erf)  }
0x30: {  	v4 =	vadd.f32 $1.000000000e+00, v4  }
0x31: {  	v2 =	vmul.f32 $1.442695020e+00, v2  }
0x32: {  	(erf) = vrcp.f32 v4  }
0x33: {  	(erf) = vpow2.f32 v2;
	_ =	sdelay $0x4  }
0x34: {  	v0 =	vadd.f32 v1, v0;
	_ =	sdelay $0x1  }
0x35: {  	v0 =	vmul.f32 $4.999999890e-03, v0  }
0x36: {  	v1 =	vpop (erf)  }
0x37: {  	v0 =	vsub.f32 $0.0e+00, v0;
	v2 =	vpop (erf)  }
0x38: {  	v2 =	vadd.f32 $1.000000000e+00, v2  }
0x39: {  	v0 =	vmul.f32 $1.442695020e+00, v0  }
0x3a: {  	(erf) = vrcp.f32 v2  }
0x3b: {  	(erf) = vpow2.f32 v0;
	_ =	sdelay $0x7  }
0x3c: {  	v0 =	vpop (erf)  }
0x3d: {  	v2 =	vpop (erf)  }
0x3e: {  	v2 =	vadd.f32 $1.000000000e+00, v2;
	_ =	sdelay $0x1  }
0x3f: {  	(erf) = vrcp.f32 v2;
	_ =	sdelay $0x6  }
0x40: {  	[tilespmem:$0x6400] =	vst v3  }
0x41: {  	[tilespmem:$0x6410] =	vst v1  }
0x42: {  	[tilespmem:$0x6420] =	vst v0;
	v0 =	vpop (erf)  }
0x43: {  	s21 =	simm.s32 $0x0;
	[tilespmem:$0x6430] =	vst v0  }
0x44: {  	[tilespmem:s21], [sflag:$0x2] =	stream.strided.gather [hbm4b:s5+s14], $0x3200, s15, s14, $0x38;
	[tilespmem:$0x6600] =	vst v63  }
0x45: {  	_ =	swait.ge [sflag:s16], $0x3200  }
0x46: {  	[sflag:s16] =	ssyncset.done $0x0  }
0x47: {  	[sflag:s16] =	ssyncadd.s32 $0xFFFFCE00  }
0x48: {  	[tilespmem:s17], [sflag:$0x1] =	stream.indirect.gather [hbm4b:s3+s17], $0x1, s21, s17, $0xb8;
	[tilespmem:$0x6600] =	vst v63  }
0x49: {  	_ =	swait.ge [sflag:s18], $0x3200  }
0x4a: {  	[sflag:s18] =	ssyncset.done $0x0  }
0x4b: {  	s22 =	simm.s32 $0x0;
	[sflag:s18] =	ssyncadd.s32 $0xFFFFCE00  }
0x4c: {  	v1 =	vld [tilespmem:s22+$0x3230]  }
0x4d: {  	v6 =	vld [tilespmem:s22+$0x3200]  }
0x4e: {  	v7 =	vimm.f32 $0.0e+00;
	v4 =	vld [tilespmem:s22+$0x3210]  }
0x4f: {  	v5 =	vimm.f32 $0.0e+00;
	v3 =	vimm.f32 $0.0e+00;
	v0 =	vimm.f32 $0.0e+00;
	s21 =	simm.s32 $0x100;
	v2 =	vld [tilespmem:s22+$0x3220]  }
.LBB2_4:
0x50: {  	p0 =	sne.s32 s21, $0xC700  }
.Ltmp1:
0x51: {  	s22 =	sshra.s32 s21, $0x2;
	s21 =	sadd.s32 $0x100, s21;
	v0 =	vadd.f32 v1, v0;
	(pc) =	sbr.rel @p0 .LBB2_4-.Ltmp1, $4  }
0x52: {  	v1 =	vld [tilespmem:s22+$0x3230];
	v7 =	vadd.f32 v6, v7  }
0x53: {  	v6 =	vld [tilespmem:s22+$0x3200];
	v5 =	vadd.f32 v4, v5  }
0x54: {  	v4 =	vld [tilespmem:s22+$0x3210];
	v3 =	vadd.f32 v2, v3  }
0x55: {  	v2 =	vld [tilespmem:s22+$0x3220]  }
0x56: {  	_ =	sdelay $0x1  }
0x57: {  	v6 =	vadd.f32 v6, v7;
	_ =	sdelay $0x1  }
0x58: {  	v6 =	vmul.f32 $4.999999890e-03, v6;
	_ =	sdelay $0x1  }
0x59: {  	v6 =	vsub.f32 $0.0e+00, v6;
	_ =	sdelay $0x1  }
0x5a: {  	v6 =	vmul.f32 $1.442695020e+00, v6;
	_ =	sdelay $0x1  }
0x5b: {  	(erf) = vpow2.f32 v6;
	_ =	sdelay $0x4  }
0x5c: {  	v4 =	vadd.f32 v4, v5;
	_ =	sdelay $0x1  }
0x5d: {  	v4 =	vmul.f32 $4.999999890e-03, v4;
	_ =	sdelay $0x1  }
0x5e: {  	v4 =	vsub.f32 $0.0e+00, v4;
	v5 =	vpop (erf)  }
0x5f: {  	v5 =	vadd.f32 $1.000000000e+00, v5  }
0x60: {  	v4 =	vmul.f32 $1.442695020e+00, v4  }
0x61: {  	(erf) = vrcp.f32 v5  }
0x62: {  	(erf) = vpow2.f32 v4;
	_ =	sdelay $0x4  }
0x63: {  	v2 =	vadd.f32 v2, v3;
	_ =	sdelay $0x1  }
0x64: {  	v2 =	vmul.f32 $4.999999890e-03, v2  }
0x65: {  	v3 =	vpop (erf)  }
0x66: {  	v2 =	vsub.f32 $0.0e+00, v2;
	v4 =	vpop (erf)  }
0x67: {  	v4 =	vadd.f32 $1.000000000e+00, v4  }
0x68: {  	v2 =	vmul.f32 $1.442695020e+00, v2  }
0x69: {  	(erf) = vrcp.f32 v4  }
0x6a: {  	(erf) = vpow2.f32 v2;
	_ =	sdelay $0x4  }
0x6b: {  	v0 =	vadd.f32 v1, v0;
	_ =	sdelay $0x1  }
0x6c: {  	v0 =	vmul.f32 $4.999999890e-03, v0  }
0x6d: {  	v1 =	vpop (erf)  }
0x6e: {  	v0 =	vsub.f32 $0.0e+00, v0;
	v2 =	vpop (erf)  }
0x6f: {  	v2 =	vadd.f32 $1.000000000e+00, v2  }
0x70: {  	v0 =	vmul.f32 $1.442695020e+00, v0  }
0x71: {  	(erf) = vrcp.f32 v2  }
0x72: {  	(erf) = vpow2.f32 v0;
	_ =	sdelay $0x7  }
0x73: {  	v0 =	vpop (erf)  }
0x74: {  	v2 =	vpop (erf)  }
0x75: {  	v2 =	vadd.f32 $1.000000000e+00, v2;
	_ =	sdelay $0x1  }
0x76: {  	(erf) = vrcp.f32 v2;
	_ =	sdelay $0x6  }
0x77: {  	[tilespmem:$0x6440] =	vst v3  }
0x78: {  	[tilespmem:$0x6450] =	vst v1  }
0x79: {  	[tilespmem:$0x6460] =	vst v0;
	v0 =	vpop (erf)  }
0x7a: {  	s21 =	simm.s32 $0x0;
	[tilespmem:$0x6470] =	vst v0  }
0x7b: {  	[tilespmem:s21], [sflag:$0x2] =	stream.strided.gather [hbm4b:s6+s14], $0x3200, s15, s14, $0x38;
	[tilespmem:$0x6600] =	vst v63  }
0x7c: {  	_ =	swait.ge [sflag:s16], $0x3200  }
0x7d: {  	[sflag:s16] =	ssyncset.done $0x0  }
0x7e: {  	[sflag:s16] =	ssyncadd.s32 $0xFFFFCE00  }
0x7f: {  	[tilespmem:s17], [sflag:$0x1] =	stream.indirect.gather [hbm4b:s3+s17], $0x1, s21, s17, $0xb8;
	[tilespmem:$0x6600] =	vst v63  }
0x80: {  	_ =	swait.ge [sflag:s18], $0x3200  }
0x81: {  	[sflag:s18] =	ssyncset.done $0x0  }
0x82: {  	s22 =	simm.s32 $0x0;
	[sflag:s18] =	ssyncadd.s32 $0xFFFFCE00  }
0x83: {  	v1 =	vld [tilespmem:s22+$0x3230]  }
0x84: {  	v6 =	vld [tilespmem:s22+$0x3200]  }
0x85: {  	v7 =	vimm.f32 $0.0e+00;
	v4 =	vld [tilespmem:s22+$0x3210]  }
0x86: {  	v5 =	vimm.f32 $0.0e+00;
	v3 =	vimm.f32 $0.0e+00;
	v0 =	vimm.f32 $0.0e+00;
	s21 =	simm.s32 $0x100;
	v2 =	vld [tilespmem:s22+$0x3220]  }
.LBB2_6:
0x87: {  	p0 =	sne.s32 s21, $0xC700  }
.Ltmp2:
0x88: {  	s22 =	sshra.s32 s21, $0x2;
	s21 =	sadd.s32 $0x100, s21;
	v0 =	vadd.f32 v1, v0;
	(pc) =	sbr.rel @p0 .LBB2_6-.Ltmp2, $4  }
0x89: {  	v1 =	vld [tilespmem:s22+$0x3230];
	v7 =	vadd.f32 v6, v7  }
0x8a: {  	v6 =	vld [tilespmem:s22+$0x3200];
	v5 =	vadd.f32 v4, v5  }
0x8b: {  	v4 =	vld [tilespmem:s22+$0x3210];
	v3 =	vadd.f32 v2, v3  }
0x8c: {  	v2 =	vld [tilespmem:s22+$0x3220]  }
0x8d: {  	_ =	sdelay $0x1  }
0x8e: {  	v6 =	vadd.f32 v6, v7;
	_ =	sdelay $0x1  }
0x8f: {  	v6 =	vmul.f32 $4.999999890e-03, v6;
	_ =	sdelay $0x1  }
0x90: {  	v6 =	vsub.f32 $0.0e+00, v6;
	_ =	sdelay $0x1  }
0x91: {  	v6 =	vmul.f32 $1.442695020e+00, v6;
	_ =	sdelay $0x1  }
0x92: {  	(erf) = vpow2.f32 v6;
	_ =	sdelay $0x4  }
0x93: {  	v4 =	vadd.f32 v4, v5;
	_ =	sdelay $0x1  }
0x94: {  	v4 =	vmul.f32 $4.999999890e-03, v4;
	_ =	sdelay $0x1  }
0x95: {  	v4 =	vsub.f32 $0.0e+00, v4;
	v5 =	vpop (erf)  }
0x96: {  	v5 =	vadd.f32 $1.000000000e+00, v5  }
0x97: {  	v4 =	vmul.f32 $1.442695020e+00, v4  }
0x98: {  	(erf) = vrcp.f32 v5  }
0x99: {  	(erf) = vpow2.f32 v4;
	_ =	sdelay $0x4  }
0x9a: {  	v2 =	vadd.f32 v2, v3;
	_ =	sdelay $0x1  }
0x9b: {  	v2 =	vmul.f32 $4.999999890e-03, v2  }
0x9c: {  	v3 =	vpop (erf)  }
0x9d: {  	v2 =	vsub.f32 $0.0e+00, v2;
	v4 =	vpop (erf)  }
0x9e: {  	v4 =	vadd.f32 $1.000000000e+00, v4  }
0x9f: {  	v2 =	vmul.f32 $1.442695020e+00, v2  }
0xa0: {  	(erf) = vrcp.f32 v4  }
0xa1: {  	(erf) = vpow2.f32 v2;
	_ =	sdelay $0x4  }
0xa2: {  	v0 =	vadd.f32 v1, v0;
	_ =	sdelay $0x1  }
0xa3: {  	v0 =	vmul.f32 $4.999999890e-03, v0  }
0xa4: {  	v1 =	vpop (erf)  }
0xa5: {  	v0 =	vsub.f32 $0.0e+00, v0;
	v2 =	vpop (erf)  }
0xa6: {  	v2 =	vadd.f32 $1.000000000e+00, v2  }
0xa7: {  	v0 =	vmul.f32 $1.442695020e+00, v0  }
0xa8: {  	(erf) = vrcp.f32 v2  }
0xa9: {  	(erf) = vpow2.f32 v0;
	_ =	sdelay $0x7  }
0xaa: {  	v0 =	vpop (erf)  }
0xab: {  	v2 =	vpop (erf)  }
0xac: {  	v2 =	vadd.f32 $1.000000000e+00, v2;
	_ =	sdelay $0x1  }
0xad: {  	(erf) = vrcp.f32 v2;
	_ =	sdelay $0x6  }
0xae: {  	[tilespmem:$0x6480] =	vst v3  }
0xaf: {  	[tilespmem:$0x6490] =	vst v1  }
0xb0: {  	[tilespmem:$0x64A0] =	vst v0;
	v0 =	vpop (erf)  }
0xb1: {  	s21 =	simm.s32 $0x0;
	[tilespmem:$0x64B0] =	vst v0  }
0xb2: {  	[tilespmem:s21], [sflag:$0x2] =	stream.strided.gather [hbm4b:s7+s14], $0x3200, s15, s14, $0x38;
	[tilespmem:$0x6600] =	vst v63  }
0xb3: {  	_ =	swait.ge [sflag:s16], $0x3200  }
0xb4: {  	[sflag:s16] =	ssyncset.done $0x0  }
0xb5: {  	[sflag:s16] =	ssyncadd.s32 $0xFFFFCE00  }
0xb6: {  	[tilespmem:s17], [sflag:$0x1] =	stream.indirect.gather [hbm4b:s3+s17], $0x1, s21, s17, $0xb8;
	[tilespmem:$0x6600] =	vst v63  }
0xb7: {  	_ =	swait.ge [sflag:s18], $0x3200  }
0xb8: {  	[sflag:s18] =	ssyncset.done $0x0  }
0xb9: {  	s22 =	simm.s32 $0x0;
	[sflag:s18] =	ssyncadd.s32 $0xFFFFCE00  }
0xba: {  	v1 =	vld [tilespmem:s22+$0x3230]  }
0xbb: {  	v6 =	vld [tilespmem:s22+$0x3200]  }
0xbc: {  	v7 =	vimm.f32 $0.0e+00;
	v4 =	vld [tilespmem:s22+$0x3210]  }
0xbd: {  	v5 =	vimm.f32 $0.0e+00;
	v3 =	vimm.f32 $0.0e+00;
	v0 =	vimm.f32 $0.0e+00;
	s21 =	simm.s32 $0x100;
	v2 =	vld [tilespmem:s22+$0x3220]  }
.LBB2_8:
0xbe: {  	p0 =	sne.s32 s21, $0xC700  }
.Ltmp3:
0xbf: {  	s22 =	sshra.s32 s21, $0x2;
	s21 =	sadd.s32 $0x100, s21;
	v0 =	vadd.f32 v1, v0;
	(pc) =	sbr.rel @p0 .LBB2_8-.Ltmp3, $4  }
0xc0: {  	v1 =	vld [tilespmem:s22+$0x3230];
	v7 =	vadd.f32 v6, v7  }
0xc1: {  	v6 =	vld [tilespmem:s22+$0x3200];
	v5 =	vadd.f32 v4, v5  }
0xc2: {  	v4 =	vld [tilespmem:s22+$0x3210];
	v3 =	vadd.f32 v2, v3  }
0xc3: {  	v2 =	vld [tilespmem:s22+$0x3220]  }
0xc4: {  	_ =	sdelay $0x1  }
0xc5: {  	v6 =	vadd.f32 v6, v7;
	_ =	sdelay $0x1  }
0xc6: {  	v6 =	vmul.f32 $4.999999890e-03, v6;
	_ =	sdelay $0x1  }
0xc7: {  	v6 =	vsub.f32 $0.0e+00, v6;
	_ =	sdelay $0x1  }
0xc8: {  	v6 =	vmul.f32 $1.442695020e+00, v6;
	_ =	sdelay $0x1  }
0xc9: {  	(erf) = vpow2.f32 v6;
	_ =	sdelay $0x4  }
0xca: {  	v4 =	vadd.f32 v4, v5;
	_ =	sdelay $0x1  }
0xcb: {  	v4 =	vmul.f32 $4.999999890e-03, v4;
	_ =	sdelay $0x1  }
0xcc: {  	v4 =	vsub.f32 $0.0e+00, v4;
	v5 =	vpop (erf)  }
0xcd: {  	v5 =	vadd.f32 $1.000000000e+00, v5  }
0xce: {  	v4 =	vmul.f32 $1.442695020e+00, v4  }
0xcf: {  	(erf) = vrcp.f32 v5  }
0xd0: {  	(erf) = vpow2.f32 v4;
	_ =	sdelay $0x4  }
0xd1: {  	v2 =	vadd.f32 v2, v3;
	_ =	sdelay $0x1  }
0xd2: {  	v2 =	vmul.f32 $4.999999890e-03, v2  }
0xd3: {  	v3 =	vpop (erf)  }
0xd4: {  	v2 =	vsub.f32 $0.0e+00, v2;
	v4 =	vpop (erf)  }
0xd5: {  	v4 =	vadd.f32 $1.000000000e+00, v4  }
0xd6: {  	v2 =	vmul.f32 $1.442695020e+00, v2  }
0xd7: {  	(erf) = vrcp.f32 v4  }
0xd8: {  	(erf) = vpow2.f32 v2;
	_ =	sdelay $0x4  }
0xd9: {  	v0 =	vadd.f32 v1, v0;
	_ =	sdelay $0x1  }
0xda: {  	v0 =	vmul.f32 $4.999999890e-03, v0  }
0xdb: {  	v1 =	vpop (erf)  }
0xdc: {  	v0 =	vsub.f32 $0.0e+00, v0;
	v2 =	vpop (erf)  }
0xdd: {  	v2 =	vadd.f32 $1.000000000e+00, v2  }
0xde: {  	v0 =	vmul.f32 $1.442695020e+00, v0  }
0xdf: {  	(erf) = vrcp.f32 v2  }
0xe0: {  	(erf) = vpow2.f32 v0;
	_ =	sdelay $0x7  }
0xe1: {  	v0 =	vpop (erf)  }
0xe2: {  	v2 =	vpop (erf)  }
0xe3: {  	v2 =	vadd.f32 $1.000000000e+00, v2;
	_ =	sdelay $0x1  }
0xe4: {  	(erf) = vrcp.f32 v2;
	_ =	sdelay $0x6  }
0xe5: {  	[tilespmem:$0x64C0] =	vst v3  }
0xe6: {  	[tilespmem:$0x64D0] =	vst v1  }
0xe7: {  	[tilespmem:$0x64E0] =	vst v0;
	v0 =	vpop (erf)  }
0xe8: {  	s21 =	simm.s32 $0x0;
	[tilespmem:$0x64F0] =	vst v0  }
0xe9: {  	[tilespmem:s21], [sflag:$0x2] =	stream.strided.gather [hbm4b:s8+s14], $0x3200, s15, s14, $0x38;
	[tilespmem:$0x6600] =	vst v63  }
0xea: {  	_ =	swait.ge [sflag:s16], $0x3200  }
0xeb: {  	[sflag:s16] =	ssyncset.done $0x0  }
0xec: {  	[sflag:s16] =	ssyncadd.s32 $0xFFFFCE00  }
0xed: {  	[tilespmem:s17], [sflag:$0x1] =	stream.indirect.gather [hbm4b:s3+s17], $0x1, s21, s17, $0xb8;
	[tilespmem:$0x6600] =	vst v63  }
0xee: {  	_ =	swait.ge [sflag:s18], $0x3200  }
0xef: {  	[sflag:s18] =	ssyncset.done $0x0  }
0xf0: {  	s22 =	simm.s32 $0x0;
	[sflag:s18] =	ssyncadd.s32 $0xFFFFCE00  }
0xf1: {  	v1 =	vld [tilespmem:s22+$0x3230]  }
0xf2: {  	v6 =	vld [tilespmem:s22+$0x3200]  }
0xf3: {  	v7 =	vimm.f32 $0.0e+00;
	v4 =	vld [tilespmem:s22+$0x3210]  }
0xf4: {  	v5 =	vimm.f32 $0.0e+00;
	v3 =	vimm.f32 $0.0e+00;
	v0 =	vimm.f32 $0.0e+00;
	s21 =	simm.s32 $0x100;
	v2 =	vld [tilespmem:s22+$0x3220]  }
.LBB2_10:
0xf5: {  	p0 =	sne.s32 s21, $0xC700  }
.Ltmp4:
0xf6: {  	s22 =	sshra.s32 s21, $0x2;
	s21 =	sadd.s32 $0x100, s21;
	v0 =	vadd.f32 v1, v0;
	(pc) =	sbr.rel @p0 .LBB2_10-.Ltmp4, $4  }
0xf7: {  	v1 =	vld [tilespmem:s22+$0x3230];
	v7 =	vadd.f32 v6, v7  }
0xf8: {  	v6 =	vld [tilespmem:s22+$0x3200];
	v5 =	vadd.f32 v4, v5  }
0xf9: {  	v4 =	vld [tilespmem:s22+$0x3210];
	v3 =	vadd.f32 v2, v3  }
0xfa: {  	v2 =	vld [tilespmem:s22+$0x3220]  }
0xfb: {  	_ =	sdelay $0x1  }
0xfc: {  	v6 =	vadd.f32 v6, v7;
	_ =	sdelay $0x1  }
0xfd: {  	v6 =	vmul.f32 $4.999999890e-03, v6;
	_ =	sdelay $0x1  }
0xfe: {  	v6 =	vsub.f32 $0.0e+00, v6;
	_ =	sdelay $0x1  }
0xff: {  	v6 =	vmul.f32 $1.442695020e+00, v6;
	_ =	sdelay $0x1  }
0x100: {  	(erf) = vpow2.f32 v6;
	_ =	sdelay $0x4  }
0x101: {  	v4 =	vadd.f32 v4, v5;
	_ =	sdelay $0x1  }
0x102: {  	v4 =	vmul.f32 $4.999999890e-03, v4;
	_ =	sdelay $0x1  }
0x103: {  	v4 =	vsub.f32 $0.0e+00, v4;
	v5 =	vpop (erf)  }
0x104: {  	v5 =	vadd.f32 $1.000000000e+00, v5  }
0x105: {  	v4 =	vmul.f32 $1.442695020e+00, v4  }
0x106: {  	(erf) = vrcp.f32 v5  }
0x107: {  	(erf) = vpow2.f32 v4;
	_ =	sdelay $0x4  }
0x108: {  	v2 =	vadd.f32 v2, v3;
	_ =	sdelay $0x1  }
0x109: {  	v2 =	vmul.f32 $4.999999890e-03, v2  }
0x10a: {  	v3 =	vpop (erf)  }
0x10b: {  	v2 =	vsub.f32 $0.0e+00, v2;
	v4 =	vpop (erf)  }
0x10c: {  	v4 =	vadd.f32 $1.000000000e+00, v4  }
0x10d: {  	v2 =	vmul.f32 $1.442695020e+00, v2  }
0x10e: {  	(erf) = vrcp.f32 v4  }
0x10f: {  	(erf) = vpow2.f32 v2;
	_ =	sdelay $0x4  }
0x110: {  	v0 =	vadd.f32 v1, v0;
	_ =	sdelay $0x1  }
0x111: {  	v0 =	vmul.f32 $4.999999890e-03, v0  }
0x112: {  	v1 =	vpop (erf)  }
0x113: {  	v0 =	vsub.f32 $0.0e+00, v0;
	v2 =	vpop (erf)  }
0x114: {  	v2 =	vadd.f32 $1.000000000e+00, v2  }
0x115: {  	v0 =	vmul.f32 $1.442695020e+00, v0  }
0x116: {  	(erf) = vrcp.f32 v2  }
0x117: {  	(erf) = vpow2.f32 v0;
	_ =	sdelay $0x7  }
0x118: {  	v0 =	vpop (erf)  }
0x119: {  	v2 =	vpop (erf)  }
0x11a: {  	v2 =	vadd.f32 $1.000000000e+00, v2;
	_ =	sdelay $0x1  }
0x11b: {  	(erf) = vrcp.f32 v2;
	_ =	sdelay $0x6  }
0x11c: {  	[tilespmem:$0x6500] =	vst v3  }
0x11d: {  	[tilespmem:$0x6510] =	vst v1  }
0x11e: {  	[tilespmem:$0x6520] =	vst v0;
	v0 =	vpop (erf)  }
0x11f: {  	s21 =	simm.s32 $0x0;
	[tilespmem:$0x6530] =	vst v0  }
0x120: {  	[tilespmem:s21], [sflag:$0x2] =	stream.strided.gather [hbm4b:s9+s14], $0x3200, s15, s14, $0x38;
	[tilespmem:$0x6600] =	vst v63  }
0x121: {  	_ =	swait.ge [sflag:s16], $0x3200  }
0x122: {  	[sflag:s16] =	ssyncset.done $0x0  }
0x123: {  	[sflag:s16] =	ssyncadd.s32 $0xFFFFCE00  }
0x124: {  	[tilespmem:s17], [sflag:$0x1] =	stream.indirect.gather [hbm4b:s3+s17], $0x1, s21, s17, $0xb8;
	[tilespmem:$0x6600] =	vst v63  }
0x125: {  	_ =	swait.ge [sflag:s18], $0x3200  }
0x126: {  	[sflag:s18] =	ssyncset.done $0x0  }
0x127: {  	s22 =	simm.s32 $0x0;
	[sflag:s18] =	ssyncadd.s32 $0xFFFFCE00  }
0x128: {  	v1 =	vld [tilespmem:s22+$0x3230]  }
0x129: {  	v6 =	vld [tilespmem:s22+$0x3200]  }
0x12a: {  	v7 =	vimm.f32 $0.0e+00;
	v4 =	vld [tilespmem:s22+$0x3210]  }
0x12b: {  	v5 =	vimm.f32 $0.0e+00;
	v3 =	vimm.f32 $0.0e+00;
	v0 =	vimm.f32 $0.0e+00;
	s21 =	simm.s32 $0x100;
	v2 =	vld [tilespmem:s22+$0x3220]  }
.LBB2_12:
0x12c: {  	p0 =	sne.s32 s21, $0xC700  }
.Ltmp5:
0x12d: {  	s22 =	sshra.s32 s21, $0x2;
	s21 =	sadd.s32 $0x100, s21;
	v0 =	vadd.f32 v1, v0;
	(pc) =	sbr.rel @p0 .LBB2_12-.Ltmp5, $4  }
0x12e: {  	v1 =	vld [tilespmem:s22+$0x3230];
	v7 =	vadd.f32 v6, v7  }
0x12f: {  	v6 =	vld [tilespmem:s22+$0x3200];
	v5 =	vadd.f32 v4, v5  }
0x130: {  	v4 =	vld [tilespmem:s22+$0x3210];
	v3 =	vadd.f32 v2, v3  }
0x131: {  	v2 =	vld [tilespmem:s22+$0x3220]  }
0x132: {  	_ =	sdelay $0x1  }
0x133: {  	v6 =	vadd.f32 v6, v7;
	_ =	sdelay $0x1  }
0x134: {  	v6 =	vmul.f32 $4.999999890e-03, v6;
	_ =	sdelay $0x1  }
0x135: {  	v6 =	vsub.f32 $0.0e+00, v6;
	_ =	sdelay $0x1  }
0x136: {  	v6 =	vmul.f32 $1.442695020e+00, v6;
	_ =	sdelay $0x1  }
0x137: {  	(erf) = vpow2.f32 v6;
	_ =	sdelay $0x4  }
0x138: {  	v4 =	vadd.f32 v4, v5;
	_ =	sdelay $0x1  }
0x139: {  	v4 =	vmul.f32 $4.999999890e-03, v4;
	_ =	sdelay $0x1  }
0x13a: {  	v4 =	vsub.f32 $0.0e+00, v4;
	v5 =	vpop (erf)  }
0x13b: {  	v5 =	vadd.f32 $1.000000000e+00, v5  }
0x13c: {  	v4 =	vmul.f32 $1.442695020e+00, v4  }
0x13d: {  	(erf) = vrcp.f32 v5  }
0x13e: {  	(erf) = vpow2.f32 v4;
	_ =	sdelay $0x4  }
0x13f: {  	v2 =	vadd.f32 v2, v3;
	_ =	sdelay $0x1  }
0x140: {  	v2 =	vmul.f32 $4.999999890e-03, v2  }
0x141: {  	v3 =	vpop (erf)  }
0x142: {  	v2 =	vsub.f32 $0.0e+00, v2;
	v4 =	vpop (erf)  }
0x143: {  	v4 =	vadd.f32 $1.000000000e+00, v4  }
0x144: {  	v2 =	vmul.f32 $1.442695020e+00, v2  }
0x145: {  	(erf) = vrcp.f32 v4  }
0x146: {  	(erf) = vpow2.f32 v2;
	_ =	sdelay $0x4  }
0x147: {  	v0 =	vadd.f32 v1, v0;
	_ =	sdelay $0x1  }
0x148: {  	v0 =	vmul.f32 $4.999999890e-03, v0  }
0x149: {  	v1 =	vpop (erf)  }
0x14a: {  	v0 =	vsub.f32 $0.0e+00, v0;
	v2 =	vpop (erf)  }
0x14b: {  	v2 =	vadd.f32 $1.000000000e+00, v2  }
0x14c: {  	v0 =	vmul.f32 $1.442695020e+00, v0  }
0x14d: {  	(erf) = vrcp.f32 v2  }
0x14e: {  	(erf) = vpow2.f32 v0;
	_ =	sdelay $0x7  }
0x14f: {  	v0 =	vpop (erf)  }
0x150: {  	v2 =	vpop (erf)  }
0x151: {  	v2 =	vadd.f32 $1.000000000e+00, v2;
	_ =	sdelay $0x1  }
0x152: {  	(erf) = vrcp.f32 v2;
	_ =	sdelay $0x6  }
0x153: {  	[tilespmem:$0x6540] =	vst v3  }
0x154: {  	[tilespmem:$0x6550] =	vst v1  }
0x155: {  	[tilespmem:$0x6560] =	vst v0;
	v0 =	vpop (erf)  }
0x156: {  	s21 =	simm.s32 $0x0;
	[tilespmem:$0x6570] =	vst v0  }
0x157: {  	[tilespmem:s21], [sflag:$0x2] =	stream.strided.gather [hbm4b:s10+s14], $0x3200, s15, s14, $0x38;
	[tilespmem:$0x6600] =	vst v63  }
0x158: {  	_ =	swait.ge [sflag:s16], $0x3200  }
0x159: {  	[sflag:s16] =	ssyncset.done $0x0  }
0x15a: {  	[sflag:s16] =	ssyncadd.s32 $0xFFFFCE00  }
0x15b: {  	[tilespmem:s17], [sflag:$0x1] =	stream.indirect.gather [hbm4b:s3+s17], $0x1, s21, s17, $0xb8;
	[tilespmem:$0x6600] =	vst v63  }
0x15c: {  	_ =	swait.ge [sflag:s18], $0x3200  }
0x15d: {  	[sflag:s18] =	ssyncset.done $0x0  }
0x15e: {  	s22 =	simm.s32 $0x0;
	[sflag:s18] =	ssyncadd.s32 $0xFFFFCE00  }
0x15f: {  	v1 =	vld [tilespmem:s22+$0x3230]  }
0x160: {  	v6 =	vld [tilespmem:s22+$0x3200]  }
0x161: {  	v7 =	vimm.f32 $0.0e+00;
	v4 =	vld [tilespmem:s22+$0x3210]  }
0x162: {  	v5 =	vimm.f32 $0.0e+00;
	v3 =	vimm.f32 $0.0e+00;
	v0 =	vimm.f32 $0.0e+00;
	s21 =	simm.s32 $0x100;
	v2 =	vld [tilespmem:s22+$0x3220]  }
.LBB2_14:
0x163: {  	p0 =	sne.s32 s21, $0xC700  }
.Ltmp6:
0x164: {  	s22 =	sshra.s32 s21, $0x2;
	s21 =	sadd.s32 $0x100, s21;
	v0 =	vadd.f32 v1, v0;
	(pc) =	sbr.rel @p0 .LBB2_14-.Ltmp6, $4  }
0x165: {  	v1 =	vld [tilespmem:s22+$0x3230];
	v7 =	vadd.f32 v6, v7  }
0x166: {  	v6 =	vld [tilespmem:s22+$0x3200];
	v5 =	vadd.f32 v4, v5  }
0x167: {  	v4 =	vld [tilespmem:s22+$0x3210];
	v3 =	vadd.f32 v2, v3  }
0x168: {  	v2 =	vld [tilespmem:s22+$0x3220]  }
0x169: {  	_ =	sdelay $0x1  }
0x16a: {  	v6 =	vadd.f32 v6, v7;
	_ =	sdelay $0x1  }
0x16b: {  	v6 =	vmul.f32 $4.999999890e-03, v6;
	_ =	sdelay $0x1  }
0x16c: {  	v6 =	vsub.f32 $0.0e+00, v6;
	_ =	sdelay $0x1  }
0x16d: {  	v6 =	vmul.f32 $1.442695020e+00, v6;
	_ =	sdelay $0x1  }
0x16e: {  	(erf) = vpow2.f32 v6;
	_ =	sdelay $0x4  }
0x16f: {  	v4 =	vadd.f32 v4, v5;
	_ =	sdelay $0x1  }
0x170: {  	v4 =	vmul.f32 $4.999999890e-03, v4;
	_ =	sdelay $0x1  }
0x171: {  	v4 =	vsub.f32 $0.0e+00, v4;
	v5 =	vpop (erf)  }
0x172: {  	v5 =	vadd.f32 $1.000000000e+00, v5  }
0x173: {  	v4 =	vmul.f32 $1.442695020e+00, v4  }
0x174: {  	(erf) = vrcp.f32 v5  }
0x175: {  	(erf) = vpow2.f32 v4;
	_ =	sdelay $0x4  }
0x176: {  	v2 =	vadd.f32 v2, v3;
	_ =	sdelay $0x1  }
0x177: {  	v2 =	vmul.f32 $4.999999890e-03, v2  }
0x178: {  	v3 =	vpop (erf)  }
0x179: {  	v2 =	vsub.f32 $0.0e+00, v2;
	v4 =	vpop (erf)  }
0x17a: {  	v4 =	vadd.f32 $1.000000000e+00, v4  }
0x17b: {  	v2 =	vmul.f32 $1.442695020e+00, v2  }
0x17c: {  	(erf) = vrcp.f32 v4  }
0x17d: {  	(erf) = vpow2.f32 v2;
	_ =	sdelay $0x4  }
0x17e: {  	v0 =	vadd.f32 v1, v0;
	_ =	sdelay $0x1  }
0x17f: {  	v0 =	vmul.f32 $4.999999890e-03, v0  }
0x180: {  	v1 =	vpop (erf)  }
0x181: {  	v0 =	vsub.f32 $0.0e+00, v0;
	v2 =	vpop (erf)  }
0x182: {  	v2 =	vadd.f32 $1.000000000e+00, v2  }
0x183: {  	v0 =	vmul.f32 $1.442695020e+00, v0  }
0x184: {  	(erf) = vrcp.f32 v2  }
0x185: {  	(erf) = vpow2.f32 v0;
	_ =	sdelay $0x7  }
0x186: {  	v0 =	vpop (erf)  }
0x187: {  	v2 =	vpop (erf)  }
0x188: {  	v2 =	vadd.f32 $1.000000000e+00, v2;
	_ =	sdelay $0x1  }
0x189: {  	(erf) = vrcp.f32 v2;
	_ =	sdelay $0x6  }
0x18a: {  	[tilespmem:$0x6580] =	vst v3  }
0x18b: {  	[tilespmem:$0x6590] =	vst v1  }
0x18c: {  	[tilespmem:$0x65A0] =	vst v0;
	v0 =	vpop (erf)  }
0x18d: {  	s21 =	simm.s32 $0x0;
	[tilespmem:$0x65B0] =	vst v0  }
0x18e: {  	[tilespmem:s21], [sflag:$0x2] =	stream.strided.gather [hbm4b:s11+s14], $0x3200, s15, s14, $0x38;
	[tilespmem:$0x6600] =	vst v63  }
0x18f: {  	_ =	swait.ge [sflag:s16], $0x3200  }
0x190: {  	[sflag:s16] =	ssyncset.done $0x0  }
0x191: {  	[sflag:s16] =	ssyncadd.s32 $0xFFFFCE00  }
0x192: {  	[tilespmem:s17], [sflag:$0x1] =	stream.indirect.gather [hbm4b:s3+s17], $0x1, s21, s17, $0xb8;
	[tilespmem:$0x6600] =	vst v63  }
0x193: {  	_ =	swait.ge [sflag:s18], $0x3200  }
0x194: {  	[sflag:s18] =	ssyncset.done $0x0  }
0x195: {  	s22 =	simm.s32 $0x0;
	[sflag:s18] =	ssyncadd.s32 $0xFFFFCE00  }
0x196: {  	v1 =	vld [tilespmem:s22+$0x3230]  }
0x197: {  	v6 =	vld [tilespmem:s22+$0x3200]  }
0x198: {  	v7 =	vimm.f32 $0.0e+00;
	v4 =	vld [tilespmem:s22+$0x3210]  }
0x199: {  	v5 =	vimm.f32 $0.0e+00;
	v3 =	vimm.f32 $0.0e+00;
	v0 =	vimm.f32 $0.0e+00;
	s21 =	simm.s32 $0x100;
	v2 =	vld [tilespmem:s22+$0x3220]  }
.LBB2_16:
0x19a: {  	p0 =	sne.s32 s21, $0xC700  }
.Ltmp7:
0x19b: {  	s22 =	sshra.s32 s21, $0x2;
	s21 =	sadd.s32 $0x100, s21;
	v0 =	vadd.f32 v1, v0;
	(pc) =	sbr.rel @p0 .LBB2_16-.Ltmp7, $4  }
0x19c: {  	v1 =	vld [tilespmem:s22+$0x3230];
	v7 =	vadd.f32 v6, v7  }
0x19d: {  	v6 =	vld [tilespmem:s22+$0x3200];
	v5 =	vadd.f32 v4, v5  }
0x19e: {  	v4 =	vld [tilespmem:s22+$0x3210];
	v3 =	vadd.f32 v2, v3  }
0x19f: {  	v2 =	vld [tilespmem:s22+$0x3220]  }
0x1a0: {  	_ =	sdelay $0x1  }
0x1a1: {  	v6 =	vadd.f32 v6, v7;
	_ =	sdelay $0x1  }
0x1a2: {  	v6 =	vmul.f32 $4.999999890e-03, v6;
	_ =	sdelay $0x1  }
0x1a3: {  	v6 =	vsub.f32 $0.0e+00, v6;
	_ =	sdelay $0x1  }
0x1a4: {  	v6 =	vmul.f32 $1.442695020e+00, v6;
	_ =	sdelay $0x1  }
0x1a5: {  	(erf) = vpow2.f32 v6;
	_ =	sdelay $0x4  }
0x1a6: {  	v4 =	vadd.f32 v4, v5;
	_ =	sdelay $0x1  }
0x1a7: {  	v4 =	vmul.f32 $4.999999890e-03, v4;
	_ =	sdelay $0x1  }
0x1a8: {  	v4 =	vsub.f32 $0.0e+00, v4;
	v58 =	vpop (erf)  }
0x1a9: {  	v5 =	vadd.f32 $1.000000000e+00, v58  }
0x1aa: {  	v4 =	vmul.f32 $1.442695020e+00, v4  }
0x1ab: {  	(erf) = vrcp.f32 v5  }
0x1ac: {  	(erf) = vpow2.f32 v4;
	_ =	sdelay $0x4  }
0x1ad: {  	v2 =	vadd.f32 v2, v3;
	_ =	sdelay $0x1  }
0x1ae: {  	v2 =	vmul.f32 $4.999999890e-03, v2  }
0x1af: {  	v59 =	vpop (erf)  }
0x1b0: {  	v2 =	vsub.f32 $0.0e+00, v2;
	v4 =	vpop (erf)  }
0x1b1: {  	v4 =	vadd.f32 $1.000000000e+00, v4  }
0x1b2: {  	v2 =	vmul.f32 $1.442695020e+00, v2  }
0x1b3: {  	(erf) = vrcp.f32 v4  }
0x1b4: {  	(erf) = vpow2.f32 v2;
	_ =	sdelay $0x4  }
0x1b5: {  	v0 =	vadd.f32 v1, v0;
	_ =	sdelay $0x1  }
0x1b6: {  	v0 =	vmul.f32 $4.999999890e-03, v0  }
0x1b7: {  	v60 =	vpop (erf)  }
0x1b8: {  	v0 =	vsub.f32 $0.0e+00, v0;
	v2 =	vpop (erf)  }
0x1b9: {  	v2 =	vadd.f32 $1.000000000e+00, v2  }
0x1ba: {  	v0 =	vmul.f32 $1.442695020e+00, v0  }
0x1bb: {  	(erf) = vrcp.f32 v2  }
0x1bc: {  	(erf) = vpow2.f32 v0;
	_ =	sdelay $0x7  }
0x1bd: {  	v61 =	vpop (erf)  }
0x1be: {  	v62 =	vpop (erf)  }
0x1bf: {  	v2 =	vadd.f32 $1.000000000e+00, v62;
	_ =	sdelay $0x1  }
0x1c0: {  	(erf) = vrcp.f32 v2;
	_ =	sdelay $0x6  }
0x1c1: {  	[tilespmem:$0x65C0] =	vst v59  }
0x1c2: {  	s20 =	sadd.s32 $0x1, s20;
	[tilespmem:$0x65D0] =	vst v60  }
0x1c3: {  	p0 =	sne.s32 s20, s13;
	[tilespmem:$0x65E0] =	vst v61;
	v63 =	vpop (erf)  }
.Ltmp8:
0x1c4: {  	[tilespmem:$0x65F0] =	vst v63;
	(pc) =	sbr.rel @p0 .LBB2_1-.Ltmp8, $4  }
0x1c5: {  	[hbm4b:s12+s2] =	stream.linear.scatter [tilespmem:s19], [sflag:$0x2], $0x200, $0x38;
	[tilespmem:$0x6600] =	vst v63  }
0x1c6: {  	_ =	swait.ge [sflag:s16], $0x200  }
0x1c7: {  	[sflag:s16] =	ssyncset.done $0x0  }
0x1c8: {  	[sflag:s16] =	ssyncadd.s32 $0xFFFFFE00  }
0x1c9: {  	_ =	sfence.sel $0x180000  }
0x1ca: {  	[bflag:$0x0] =	sbarrier.arrive $0xFFFF  }
0x1cb: {  	p0 =	sne.s32 s0, $0x0;
	_ =	strace $0x9000004A  }
0x1cc: {  	s0 =	sadd.s32 @!p0 $0x100000, s1;
	[bflag:$0x2] =	sbarrier.arrive $0xFFFF  }
0x1cd: {  	[sflag:s0] =	ssyncadd.tile.s32 @!p0 $0x1;
	_ =	shalt  }
.Lfunc_end2:
_tile_overlayer_lowered:
.L_overlay_start_2:
0x1ce: {  	(tag) =	ssettag $0x2  }
0x1cf: {  	s0 =	rddreg [dreg:$0x0];
	s2 =	stileid.u32  }
0x1d0: {  	s1 =	rddreg [dreg:$0x1];
	p0 =	sne.s32 s2, $0x0  }
0x1d1: {  	s3 =	rddreg [dreg:$0x2];
	[bflag:$0x3] =	sbarrier.arrive $0xFFFF;
	s2 =	simm.s32 @!p0 $0x1C02  }
0x1d2: {  	[timem:s3], [sflag:s2] =	dma.local @!p0 [hbm:s0], s1  }
0x1d3: {  	s0 =	simm.s32 @!p0 $0x2  }
0x1d4: {  	_ =	swait.ge @!p0 [sflag:s0], s1  }
0x1d5: {  	s1 =	ssub.s32 @!p0 $0x0, s1;
	[sflag:s0] =	ssyncset.done @!p0 $0x0  }
0x1d6: {  	[sflag:s0] =	ssyncadd.s32 @!p0 s1  }
0x1d7: {  	[bflag:$0x3] =	sbarrier.arrive $0xFFFF  }
0x1d8: {  	_ =	shalt  }

// kernel: sparse-core-data-format-call.cloned.1.call-start
scs
called_computation_lowered:
.L_overlay_start_0:
0x0: {  	s1 =	sld [smem:$0x3FD9]  }
0x1: {  	s2 =	sld [smem:$0x3FFE];
	_ =	sdelay $0x1  }
0x2: {  	s3 =	srdreg.scid  }
0x3: {  	s0 =	sand.u32 $0x1, s3  }
0x4: {  	s17 =	sshll.u32 s0, $0xA;
	s1 =	sadd.s32 s2, s1  }
0x5: {  	s1 =	sadd.s32 s1, s17  }
0x6: {  	[smem:$0x3FC4] =	sst s1  }
0x7: {  	_ = 	snop  }
0x8: {  	(tm) =	ssettm $0x1  }
0x9: {  	s18 =	sld [smem:$0x3FFB];
	_ =	sdelay $0x3  }
0xa: {  	_ =	strace s18  }
0xb: {  	s1 =	sld [smem:$0x3FFC];
	_ =	sdelay $0x3  }
0xc: {  	_ =	strace s1  }
0xd: {  	s1 =	sld [smem:$0x3FFD];
	_ =	sdelay $0x3  }
0xe: {  	_ =	strace s1  }
0xf: {  	_ =	strace $0x8FFFFFFF  }
0x10: {  	s19 =	sld [smem:$0x3FDB];
	_ =	sdelay $0x1  }
0x11: {  	s20 =	simm.s32 $_scs_section_size  }
0x12: {  	s4 =	simm.s32 $_size__tile_overlayer_lowered;
	s5 =	simm.s32 $_tile_overlayer_lowered  }
0x13: {  	s23 =	simm.s32 $0x1BFF;
	s22 =	sshll.u32 s5, $0x1;
	s1 =	sadd.s32 s20, s19  }
0x14: {  	s6 =	simm.s32 $0x0;
	s21 =	sshll.u32 s4, $0x1;
	s4 =	sadd.s32 s22, s1  }
0x15: {  	[timem:s6], [sflag:s23] =	dma.local [hbm:s4], s21  }
0x16: {  	_ =	swait.ge [sflag:s23], s21  }
0x17: {  	s2 =	ssub.s32 $0x0, s21;
	[sflag:s23] =	ssyncset.done $0x0  }
0x18: {  	[sflag:s23] =	ssyncadd.s32 s2;
	_ =	sdelay $0x1  }
0x19: {  	s24 =	simm.s32 $0x1B8B  }
0x1a: {  	_ =	swait.ge [sflag:s24], $0x1  }
0x1b: {  	[sflag:s24] =	ssyncset.done $0x0  }
0x1c: {  	s26 =	simm.s32 $0x1B8E;
	s25 =	sld [smem:$0x3FFE];
	[sflag:s24] =	ssyncadd.s32 $0xFFFFFFFF  }
0x1d: {  	s27 =	simm.s32 $execute0_lowered;
	[smem:$0x3FD2] =	sst s26  }
0x1e: {  	s4 =	sshll.u32 s27, $0x1;
	_ =	strace $0x80000046;
	[dreg:$0x1] =	wrdreg $0xFFFFFFFF  }
0x1f: {  	s28 =	simm.s32 $_size_execute0_lowered;
	s1 =	sadd.s32 s1, s4;
	[dreg:$0x0] =	wrdreg $0x0  }
0x20: {  	s4 =	sshll.u32 s28, $0x1;
	[dreg:$0x2] =	wrdreg s1  }
0x21: {  	[dreg:$0x3] =	wrdreg s4  }
0x22: {  	[dreg:$0x4] =	wrdreg $0xC0  }
0x23: {  	_ =	task [dreg:s6], $0x5FFFF  }
0x24: {  	[dreg:$0x1] =	wrdreg $0xFFFFFFFF  }
0x25: {  	[dreg:$0x0] =	wrdreg $0x60  }
0x26: {  	[dreg:$0x2] =	wrdreg s25  }
0x27: {  	[dreg:$0x3] =	wrdreg $0x9  }
0x28: {  	_ =	task.clear_ibuf [dreg:s6], $0x4FFFF;
	_ =	strace $0x90000046  }
0x29: {  	s29 =	simm.s32 $0x9;
	_ =	strace $0x80000048  }
0x2a: {  	_ =	swait.ge [sflag:s29], $0x1  }
0x2b: {  	[sflag:s29] =	ssyncadd.s32 $0xFFFFFFFF  }
0x2c: {  	_ =	strace $0x90000048  }
0x2d: {  	_ =	sfence  }
0x2e: {  	s30 =	sld [smem:$0x0];
	_ =	sdelay $0x2  }
0x2f: {  	s31 =	sshll.u32 s3, $0xD;
	s3 =	sshrl.u32 s3, $0x2  }
0x30: {  	s2 =	sand.u32 $0x4000, s31;
	s1 =	sadd.s32 s3, s30  }
0x31: {  	s0 =	sor.u32 s2, s0;
	s1 =	sshll.u32 s1, $0x11  }
0x32: {  	s0 =	sor.u32 s1, s0  }
0x33: {  	s0 =	sadd.s32 $0x8F2B, s0  }
0x34: {  	[sflag:s0] =	ssyncadd.remote.s32 $0x1  }
0x35: {  	_ =	sfence.sel $0xFFFF  }
0x36: {  	[dreg:$0x0] =	wrdreg $0xFFFFFFFF;
	(pc) =	sbr.abs _section_cstart, $3  }
0x37: {  	[dreg:$0x1] =	wrdreg $0xFFFFFFFF  }
0x38: {  	_ =	task.clear_ibuf [dreg:s6], $0x2FFFF;
	_ =	strace $0x9FFFFFFF  }
0x39: {  	(tm) =	ssettm $0x7FFFFFFF  }
tec
execute0_lowered:
.L_overlay_start_1:
0x0: {  	(tag) =	ssettag $0x1  }
0x1: {  	s0 =	srdreg.scid  }
0x2: {  	s5 =	rddreg [dreg:$0x0];
	s1 =	stileid.u32;
	s4 =	simm.s32 $0x1  }
0x3: {  	s6 =	simm.s32 $0x2;
	s15 =	simm.s32 $0x0;
	p0 =	por $0x0, $0x0  }
0x4: {  	s8 =	simm.s32 $0x80;
	s14 =	simm.s32 $0x0;
	s2 =	sshll.u32 s0, $0x4  }
0x5: {  	s9 =	simm.s32 $0x0;
	s10 =	simm.s32 $0x0;
	s2 =	sand.u32 $0x10, s2  }
.Ltmp0:
0x6: {  	s12 =	simm.s32 $0x0;
	s3 =	sor.u32 s1, s2;
	(pc) =	sbr.rel .LBB1_1-.Ltmp0, $4  }
0x7: {  	s0 =	rddreg [dreg:$0x1];
	_ =	strace $0x80000047;
	s3 =	sshll.u32 s3, $0x7  }
0x8: {  	s13 =	simm.s32 $0x0;
	[sflag:s4] =	ssyncpa.u1 $0x0;
	s7 =	ssub.s32 $0xF4200, s3  }
0x9: {  	s2 =	sadd.s32 $0x1000, s5;
	[sflag:s6] =	ssyncpa.u1 $0x0;
	s6 =	sshrl.u32 s7, $0xC  }
0xa: {  	s5 =	sadd.s32 $0x1E9600, s5;
	s11 =	smov.u32 s3;
	s7 =	sadd.s32 $0x2, s6  }
.LBB1_5:
0xb: {  	p1 =	slt.u32 s13, $0x2  }
0xc: {  	s17 =	smov.u32 s15;
	p2 =	sgt.s32 @!p1 s15, $0xF41C0;
	s16 =	sshra.s32 @!p1 s15, $0x1F  }
0xd: {  	p3 =	sgt.s32 @!p1 s14, $0x60;
	s18 =	sshra.s32 @!p1 s14, $0x1F;
	p2 =	por !p2, p1  }
0xe: {  	s15 =	sand.u32 @!p1 s16, s15;
	p3 =	por !p3, p1;
	s16 =	smov.u32 s14  }
0xf: {  	s14 =	sand.u32 @!p1 s18, s14;
	s17 =	simm.s32 @p2 $0xF41C0;
	s16 =	simm.s32 @p3 $0x60  }
0x10: {  	s15 =	ssub.s32 @!p1 s17, s15;
	s14 =	ssub.s32 @!p1 s16, s14  }
0x11: {  	s18 =	smov.u32 s12;
	s16 =	sadd.s32 @!p1 $0xFFF0BE40, s15;
	s17 =	sadd.s32 @!p1 $0xFFFFFFA0, s14  }
0x12: {  	s15 =	ssub.s32 @!p1 $0xF4240, s15;
	p2 =	sgt.s32 @!p1 s16, $0x7F;
	p3 =	sgt.s32 @!p1 s17, $0x1F  }
0x13: {  	s14 =	ssub.s32 @!p1 $0x80, s14;
	p2 =	por !p2, p1;
	p3 =	por !p3, p1  }
0x14: {  	s16 =	sadd.s32 $0x1000, s11;
	s15 =	simm.s32 @!p2 $0x0;
	s14 =	simm.s32 @!p3 $0x0  }
0x15: {  	p2 =	sgt.s32 s16, $0xF423F;
	s14 =	smul.u32 @!p1 s14, s15;
	s15 =	sadd.s32 $0x20, s12  }
0x16: {  	s18 =	smov.u32 @p2 s15  }
0x17: {  	s16 =	smov.u32 @p2 s3;
	p2 =	sgt.s32 s18, $0x1F  }
0x18: {  	p0 =	por !p0, !p0;
	s18 =	simm.s32 @p2 $0x0;
	p2 =	sne.s32 s13, s7  }
.Ltmp1:
0x19: {  	s17 =	simm.s32 @!p1 $0x2;
	s14 =	sshrl.u32 @!p1 s14, $0x1;
	(pc) =	sbr.rel @!p2 .LBB1_6-.Ltmp1, $4  }
0x1a: {  	s15 =	smov.u32 s9;
	s9 =	smov.u32 s11;
	s14 =	sand.u32 @!p1 $0x3FFFFFFF, s14  }
0x1b: {  	s11 =	smov.u32 s16;
	s13 =	sadd.s32 $0x1, s13;
	_ =	swait.ge @!p1 [sflag:s17], s14  }
0x1c: {  	s19 =	ssub.s32 @!p1 $0x0, s14;
	s14 =	smov.u32 s10;
	[sflag:s17] =	ssyncset.done @!p1 $0x0  }
0x1d: {  	s10 =	smov.u32 s12;
	s12 =	smov.u32 s18;
	[sflag:s17] =	ssyncadd.s32 @!p1 s19  }
.LBB1_1:
0x1e: {  	p1 =	sgt.u32 s13, s6  }
0x1f: {  	s16 =	sshrl.u32 @!p1 s12, $0x3  }
0x20: {  	s17 =	sshll.u32 @!p1 s11, $0x3;
	s16 =	smul.u32 @!p1 $0x7A1400, s16  }
0x21: {  	s18 =	sshll.u32 @!p1 s12, $0x7;
	s17 =	sand.u32 @!p1 $0xFFFFFC00, s17  }
0x22: {  	s16 =	sadd.s32 @!p1 s16, s17;
	s17 =	sand.u32 @!p1 $0x300, s18;
	s18 =	sshll.u32 @!p1 s11, $0x1  }
0x23: {  	s16 =	sor.u32 @!p1 s17, s16;
	s17 =	sand.u32 @!p1 $0xFE, s18  }
0x24: {  	s18 =	sand.u32 @!p1 $0x1, s12;
	s16 =	sor.u32 @!p1 s17, s16  }
0x25: {  	s17 =	sor.u32 @!p1 s18, s16  }
0x26: {  	s18 =	smulhi.u32 @!p1 $0x218D6287, s17;
	_ =	sdelay $0x1  }
0x27: {  	s16 =	smulhi.u32 @!p1 $0x218D6287, s16;
	s18 =	sshrl.u32 @!p1 s18, $0x11  }
0x28: {  	s18 =	smul.u32 @!p1 $0xF4280, s18  }
0x29: {  	s16 =	sshrl.u32 @!p1 s16, $0x11  }
0x2a: {  	s16 =	sand.u32 @!p1 $0x1F, s16;
	s17 =	ssub.s32 @!p1 s17, s18  }
0x2b: {  	s16 =	smul.u32 @!p1 $0xF428, s16;
	s18 =	sshrl.u32 @!p1 s17, $0x4  }
0x2c: {  	s19 =	sxor.u32 @!p1 $0xFFFFFFFF, s13;
	s17 =	sshll.u32 @!p1 s17, $0x11;
	s18 =	sadd.s32 @!p1 s2, s18  }
0x2d: {  	s17 =	sand.u32 @!p1 $0x1C0000, s17;
	s16 =	sadd.s32 @!p1 s16, s18;
	s18 =	sshll.u32 @!p1 s19, $0xB  }
0x2e: {  	s17 =	sor.u32 @!p1 $0x200, s17;
	s19 =	simm.s32 @!p1 $0x3D0A00;
	s18 =	sand.u32 @!p1 $0x800, s18  }
0x2f: {  	[tilespmem:s18], [sflag:$0x1] =	stream.strided.gather @!p1 [hbm4b:s16+s17], $0x800, s19, s17, $0x38;
	[tilespmem:$0x2080] =	vst v63  }
0x30: {  	p1 =	seq.s32 s13, $0x0  }
0x31: {  	p2 =	sge.u32 @!p1 s13, s7  }
0x32: {  	p1 =	por p1, p2  }
.Ltmp2:
0x33: {  	_ = 	snop;
	(pc) =	sbr.rel @p1 .LBB1_5-.Ltmp2, $1  }
0x34: {  	_ =	sdelay $0x3  }
0x35: {  	s16 =	simm.s32 $0x1  }
0x36: {  	_ =	swait.ge [sflag:s4], $0x800;
	s16 =	simm.s32 @!p0 $0x0  }
0x37: {  	[sflag:s4] =	ssyncset.done $0x0;
	s16 =	sshll.u32 s16, $0xB  }
0x38: {  	[sflag:s4] =	ssyncadd.s32 $0xFFFFF800;
	s16 =	sor.u32 $0x40, s16  }
0x39: {  	v0 =	vld [tilespmem:s16+$0x20]  }
0x3a: {  	v1 =	vld [tilespmem:s16+$0x30]  }
0x3b: {  	v2 =	vld [tilespmem:s16+$0xFFFFFFD0]  }
0x3c: {  	v5 =	vld [tilespmem:s16+$0x0]  }
0x3d: {  	v6 =	vld [tilespmem:s16+$0x10]  }
0x3e: {  	s17 =	sand.u32 $0x1, s13;
	v3 =	vld [tilespmem:s16+$0xFFFFFFE0]  }
0x3f: {  	s17 =	smul.u32 $0x2100, s17;
	v4 =	vld [tilespmem:s16+$0xFFFFFFF0]  }
0x40: {  	s18 =	simm.s32 $0x0;
	v1 =	vperm.xlane.i2c.b16 v1  }
0x41: {  	s19 =	sand.u32 $0x1C, s18;
	s17 =	sshrl.u32 s17, $0x2;
	v8 =	vld [tilespmem:s16+$0xFFFFFFC0];
	s20 =	sadd.s32 $0x80, s16;
	v7 =	vperm.xlane.i2c.b16 v0;
	v0 =	vperm.xlane.i2c.b16 v2  }
0x42: {  	s30 =	sand.u32 $0x20, s18;
	s31 =	sshrl.u32 s19, $0x1;
	s16 =	sor.u32 $0x1000, s17;
	v11 =	vld [tilespmem:s20+$0x30];
	v10 =	vperm.xlane.i2c.b16 v5;
	v13 =	vperm.xlane.i2c.b16 v6  }
0x43: {  	s17 =	sshrl.u32 s30, $0x1;
	s18 =	sadd.s32 s31, s16;
	v2 =	vld [tilespmem:s20+$0x20];
	v3 =	vperm.xlane.i2c.b16 v3;
	v9 =	vcombine.low v7, v1  }
0x44: {  	v12 =	vld [tilespmem:s20+$0xFFFFFFD0];
	s17 =	sadd.s32 s17, s18;
	v4 =	vperm.xlane.i2c.b16 v4;
	v14 =	vcombine.low v10, v13  }
0x45: {  	v1 =	vcombine.high v7, v1;
	v7 =	vld [tilespmem:s20+$0xFFFFFFE0];
	[tilespmem:s17+$0x630 ss:$0x21] =	vst.msk $0xffff, v9  }
0x46: {  	v6 =	vld [tilespmem:s20+$0xFFFFFFF0];
	v5 =	vperm.xlane.i2c.b16 v8;
	v9 =	vcombine.low v3, v4;
	[tilespmem:s17+$0x420 ss:$0x21] =	vst.msk $0xffff, v14  }
0x47: {  	s18 =	simm.s32 $0x4;
	v8 =	vperm.xlane.i2c.b16 v11;
	[tilespmem:s17+$0x631 ss:$0x21] =	vst.msk $0xffff, v1;
	v1 =	vcombine.high v3, v4;
	v4 =	vld [tilespmem:s20+$0x0]  }
0x48: {  	s19 =	simm.s32 $0x2;
	s22 =	sand.u32 $0x1C, s18;
	v10 =	vcombine.high v10, v13;
	v3 =	vld [tilespmem:s20+$0x10];
	[tilespmem:s17+$0x210 ss:$0x21] =	vst.msk $0xffff, v9;
	v9 =	vperm.xlane.i2c.b16 v2  }
0x49: {  	s21 =	sand.u32 $0x20, s18;
	s22 =	sshrl.u32 s22, $0x1;
	v11 =	vcombine.low v5, v0;
	v2 =	vld [tilespmem:s20+$0xFFFFFFC0];
	s20 =	sadd.s32 $0x80, s20;
	[tilespmem:s17+$0x211 ss:$0x21] =	vst.msk $0xffff, v1;
	v1 =	vperm.xlane.i2c.b16 v12  }
.LBB1_3:
0x4a: {  	v12 =	vld [tilespmem:s20+$0x20];
	s22 =	sadd.s32 s22, s16;
	s21 =	sshrl.u32 s21, $0x1;
	v13 =	vperm.xlane.i2c.b16 v7;
	v7 =	vcombine.low v9, v8;
	[tilespmem:s17+$0x421 ss:$0x21] =	vst.msk $0xffff, v10  }
0x4b: {  	s19 =	sadd.s32 $0x2, s19;
	v14 =	vld [tilespmem:s20+$0x30];
	s21 =	sadd.s32 s21, s22;
	v10 =	vperm.xlane.i2c.b16 v6;
	v6 =	vcombine.high v9, v8;
	[tilespmem:s17+$0x0 ss:$0x21] =	vst.msk $0xffff, v11  }
0x4c: {  	p1 =	slt.u32 s19, $0x1E;
	v11 =	vld [tilespmem:s20+$0xFFFFFFD0];
	v8 =	vperm.xlane.i2c.b16 v4;
	[tilespmem:s21+$0x630 ss:$0x21] =	vst.msk $0xffff, v7;
	v4 =	vcombine.high v5, v0;
	v0 =	vmov v1  }
.Ltmp3:
0x4d: {  	v7 =	vld [tilespmem:s20+$0xFFFFFFE0];
	v1 =	vcombine.low v13, v10;
	v3 =	vperm.xlane.i2c.b16 v3;
	[tilespmem:s21+$0x631 ss:$0x21] =	vst.msk $0xffff, v6;
	(pc) =	sbr.rel @p1 .LBB1_3-.Ltmp3, $4  }
0x4e: {  	v6 =	vld [tilespmem:s20+$0xFFFFFFF0];
	v5 =	vperm.xlane.i2c.b16 v2;
	v2 =	vcombine.high v13, v10;
	[tilespmem:s17+$0x1 ss:$0x21] =	vst.msk $0xffff, v4;
	s17 =	smov.u32 s21  }
0x4f: {  	s18 =	sadd.s32 $0x4, s18;
	v4 =	vld [tilespmem:s20+$0x0];
	[tilespmem:s17+$0x210 ss:$0x21] =	vst.msk $0xffff, v1;
	v13 =	vcombine.low v8, v3;
	v10 =	vcombine.high v8, v3  }
0x50: {  	s22 =	sand.u32 $0x1C, s18;
	v9 =	vperm.xlane.i2c.b16 v12;
	v3 =	vld [tilespmem:s20+$0x10];
	v8 =	vperm.xlane.i2c.b16 v14;
	[tilespmem:s17+$0x211 ss:$0x21] =	vst.msk $0xffff, v2  }
0x51: {  	s22 =	sshrl.u32 s22, $0x1;
	s21 =	sand.u32 $0x20, s18;
	v2 =	vld [tilespmem:s20+$0xFFFFFFC0];
	v1 =	vperm.xlane.i2c.b16 v11;
	s20 =	sadd.s32 $0x80, s20;
	v11 =	vcombine.low v5, v0;
	[tilespmem:s17+$0x420 ss:$0x21] =	vst.msk $0xffff, v13  }
0x52: {  	s18 =	sadd.s32 s22, s16;
	s19 =	sshll.u32 s9, $0x7;
	s20 =	sshll.u32 s10, $0x3  }
0x53: {  	s21 =	sshrl.u32 s21, $0x1;
	s24 =	sshll.u32 s10, $0x1;
	p1 =	sgt.s32 s9, $0xF41C0  }
0x54: {  	s22 =	smov.u32 s9;
	s26 =	sshra.s32 s9, $0x1F;
	s23 =	sand.u32 $0xFFFFFC00, s19  }
0x55: {  	s20 =	sand.u32 $0xFFFFFC00, s20;
	s19 =	sand.u32 $0x300, s19;
	s25 =	sand.u32 $0x80, s24  }
0x56: {  	s18 =	sadd.s32 s21, s18;
	s22 =	simm.s32 @!p1 $0xF41C0;
	p1 =	sgt.s32 s10, $0x60  }
0x57: {  	s21 =	smov.u32 s10;
	s20 =	sadd.s32 s20, s23;
	s23 =	sshra.s32 s10, $0x1F  }
0x58: {  	s21 =	simm.s32 @!p1 $0x60;
	s19 =	sor.u32 s19, s20;
	s20 =	sand.u32 s26, s9  }
0x59: {  	v7 =	vperm.xlane.i2c.b16 v7;
	[tilespmem:s17+$0x421 ss:$0x21] =	vst.msk $0xffff, v10;
	v0 =	vcombine.high v5, v0;
	s23 =	sand.u32 s23, s10;
	s19 =	sor.u32 s25, s19;
	s20 =	ssub.s32 s22, s20  }
0x5a: {  	v57 =	vcombine.low v9, v8;
	v6 =	vperm.xlane.i2c.b16 v6;
	[tilespmem:s17+$0x0 ss:$0x21] =	vst.msk $0xffff, v11;
	s21 =	ssub.s32 s21, s23;
	s19 =	sshrl.u32 s19, $0x7;
	s22 =	sadd.s32 $0xFFF0BE40, s20  }
0x5b: {  	v58 =	vcombine.high v9, v8;
	v4 =	vperm.xlane.i2c.b16 v4;
	[tilespmem:s17+$0x1 ss:$0x21] =	vst.msk $0xffff, v0;
	s23 =	sadd.s32 $0xFFFFFFA0, s21;
	s20 =	ssub.s32 $0xF4240, s20;
	s21 =	ssub.s32 $0x80, s21  }
0x5c: {  	[tilespmem:s18+$0x630 ss:$0x21] =	vst.msk $0xffff, v57;
	v59 =	vcombine.low v7, v6;
	v3 =	vperm.xlane.i2c.b16 v3;
	s27 =	smulhi.u32 $0x218DEF5, s19;
	p1 =	sgt.s32 s22, $0x7F;
	p2 =	sgt.s32 s23, $0x1F  }
0x5d: {  	[tilespmem:s18+$0x631 ss:$0x21] =	vst.msk $0xffff, v58;
	v60 =	vcombine.high v7, v6;
	s20 =	simm.s32 @p1 $0x0;
	s21 =	simm.s32 @p2 $0x0  }
0x5e: {  	v2 =	vperm.xlane.i2c.b16 v2;
	[tilespmem:s18+$0x210 ss:$0x21] =	vst.msk $0xffff, v59;
	v61 =	vcombine.low v4, v3;
	s17 =	sshrl.u32 s27, $0xD;
	s20 =	smul.u32 s21, s20  }
0x5f: {  	v3 =	vcombine.high v4, v3;
	[tilespmem:s18+$0x211 ss:$0x21] =	vst.msk $0xffff, v60;
	s17 =	smul.u32 $0xF4240, s17  }
.Ltmp4:
0x60: {  	s28 =	sshrl.u32 s10, $0x3;
	s29 =	sand.u32 $0x7, s10;
	v62 =	vcombine.low v2, v1;
	[tilespmem:s18+$0x420 ss:$0x21] =	vst.msk $0xffff, v61;
	(pc) =	sbr.rel .LBB1_5-.Ltmp4, $4  }
0x61: {  	v63 =	vcombine.high v2, v1;
	[tilespmem:s18+$0x421 ss:$0x21] =	vst.msk $0xffff, v3;
	s21 =	sshll.u32 s29, $0x12;
	s17 =	ssub.s32 s19, s17;
	s19 =	sand.u32 $0x7, s28  }
0x62: {  	[tilespmem:s18+$0x0 ss:$0x21] =	vst.msk $0xffff, v62;
	s20 =	sshrl.u32 s20, $0x1;
	s17 =	sshll.u32 s17, $0x3;
	s19 =	sadd.s32 s5, s19  }
0x63: {  	[tilespmem:s18+$0x1 ss:$0x21] =	vst.msk $0xffff, v63;
	s31 =	sor.u32 $0x20, s21;
	s30 =	sand.u32 $0x3FFFFFFF, s20;
	s17 =	sadd.s32 s17, s19  }
0x64: {  	[hbm4b:s17+s31] =	stream.strided.scatter [tilespmem:s16], [sflag:$0x2], s30, s8, s31, $0x10;
	[tilespmem:$0x2080] =	vst v63  }
.LBB1_6:
0x65: {  	_ =	sfence.sel $0x180000  }
0x66: {  	s2 =	simm.s32 $0x1;
	[bflag:$0x0] =	sbarrier.arrive $0xFFFF  }
0x67: {  	s31 =	simm.s32 $0x2;
	[sflag:s2] =	ssyncpa.u1 $0x1  }
0x68: {  	[sflag:s31] =	ssyncpa.u1 $0x1  }
0x69: {  	p0 =	sne.s32 s1, $0x0;
	_ =	strace $0x90000047  }
0x6a: {  	s0 =	sadd.s32 @!p0 $0x100000, s0;
	[bflag:$0x2] =	sbarrier.arrive $0xFFFF  }
0x6b: {  	[sflag:s0] =	ssyncadd.tile.s32 @!p0 $0x1;
	_ =	shalt  }
.Lfunc_end1:
_tile_overlayer_lowered:
.L_overlay_start_2:
0x6c: {  	(tag) =	ssettag $0x2  }
0x6d: {  	s0 =	rddreg [dreg:$0x0];
	s2 =	stileid.u32  }
0x6e: {  	s1 =	rddreg [dreg:$0x1];
	p0 =	sne.s32 s2, $0x0  }
0x6f: {  	s3 =	rddreg [dreg:$0x2];
	[bflag:$0x3] =	sbarrier.arrive $0xFFFF;
	s2 =	simm.s32 @!p0 $0x1C01  }
0x70: {  	[timem:s3], [sflag:s2] =	dma.local @!p0 [hbm:s0], s1  }
0x71: {  	s0 =	simm.s32 @!p0 $0x1  }
0x72: {  	_ =	swait.ge @!p0 [sflag:s0], s1  }
0x73: {  	s1 =	ssub.s32 @!p0 $0x0, s1;
	[sflag:s0] =	ssyncset.done @!p0 $0x0  }
0x74: {  	[sflag:s0] =	ssyncadd.s32 @!p0 s1  }
0x75: {  	[bflag:$0x3] =	sbarrier.arrive $0xFFFF  }
0x76: {  	_ =	shalt  }

</sc_bundles>
